<compile_context>
chip_gen: v7x
topology: tpu7x:2x2x1
jax: 0.10.2.dev20260603
libtpu: 0.0.44.dev20260713+nightly
codegen_flags: <defaults>
</compile_context>

<pallas_src>
import functools
import math

import jax
import jax.numpy as jnp
from jax import lax
from jax.experimental import pallas as pl
from jax.experimental.pallas import tpu as pltpu
from jax.experimental.pallas import tpu_sc as plsc

_EMB = 32
_SCALE = math.sqrt(_EMB)
_LANES = 16


def _make_sc_kernel(B: int, chunk: int, S: int, K: int):
    info = plsc.get_sparse_core_info()
    NC, NS = info.num_cores, info.num_subcores
    NW = NC * NS
    assert B % NW == 0
    b_per_w = B // NW
    assert b_per_w % chunk == 0
    n_chunks = b_per_w // chunk
    n_visits = n_chunks + K
    rounds = (n_visits + S - 1) // S
    vregs_per_row = _EMB // _LANES

    mesh = plsc.VectorSubcoreMesh(core_axis_name="c", subcore_axis_name="s")

    @functools.partial(
        pl.kernel,
        out_type=jax.ShapeDtypeStruct((B, _EMB), jnp.float32),
        mesh=mesh,
        scratch_types=[
            [pltpu.VMEM((chunk,), jnp.int32) for _ in range(S)],
            [pltpu.VMEM((chunk, _EMB), jnp.float32) for _ in range(S)],
            [pltpu.SemaphoreType.DMA for _ in range(S)],
            [pltpu.SemaphoreType.DMA for _ in range(S)],
            [pltpu.SemaphoreType.DMA for _ in range(S)],
        ],
        compiler_params=pltpu.CompilerParams(use_tc_tiling_on_sc=False),
    )
    def k(tokens_hbm, table_hbm, out_hbm, idx_v, rows_v, isem, gsem, ssem):
        wid = lax.axis_index("s") * NC + lax.axis_index("c")
        base = wid * b_per_w

        def idx_load(c, slot):
            return pltpu.async_copy(
                tokens_hbm.at[pl.ds(base + c * chunk, chunk)], idx_v[slot],
                isem[slot])

        for b in range(S):
            idx_load(b, b)

        def round_body(r, carry):
            for b in range(S):
                g = r * S + b

                @pl.when(g < n_chunks)
                def _fetch():
                    pltpu.make_async_copy(
                        tokens_hbm.at[pl.ds(base, chunk)], idx_v[b],
                        isem[b]).wait()

                    @pl.when(g >= S)
                    def _drain_prev_scatter():
                        pltpu.make_async_copy(
                            rows_v[b], out_hbm.at[pl.ds(base, chunk)],
                            ssem[b]).wait()

                    pltpu.async_copy(
                        table_hbm.at[idx_v[b]], rows_v[b], gsem[b])

                p = g - K
                bp = (b - K) % S

                @pl.when((g >= K) & (p < n_chunks))
                def _process():
                    pltpu.make_async_copy(
                        table_hbm.at[idx_v[bp]], rows_v[bp], gsem[bp]).wait()

                    @pl.when(p + S < n_chunks)
                    def _prefetch_idx():
                        idx_load(p + S, bp)

                    def scale_body(i, c2):
                        for j in range(vregs_per_row):
                            sl = pl.ds(j * _LANES, _LANES)
                            rows_v[bp][i, sl] = rows_v[bp][i, sl] * _SCALE
                        return c2

                    lax.fori_loop(0, chunk, scale_body, 0, unroll=8)
                    pltpu.async_copy(
                        rows_v[bp], out_hbm.at[pl.ds(base + p * chunk, chunk)],
                        ssem[bp])

            return carry

        lax.fori_loop(0, rounds, round_body, 0)

        for b in range(S):
            c = n_chunks - S + b
            pltpu.make_async_copy(
                rows_v[b], out_hbm.at[pl.ds(base, chunk)], ssem[b]).wait()

    return k


@jax.jit
def kernel(tokens, table):
    B = tokens.shape[0] * tokens.shape[1]
    flat = jnp.reshape(tokens, (B,))
    k = _make_sc_kernel(B, chunk=512, S=5, K=2)
    out = k(flat, table)
    return jnp.reshape(out, (*tokens.shape, _EMB))

# --- scband reference (transcript-rebuilt; emitter-appended) ---
"""Pipeline reference for scband-token-embedding-798863917762 (READ-ONLY COPY).

The authoritative reference and input builder live on the scoring server;
editing this copy changes nothing except your own understanding.
"""

import math
import jax, jax.numpy as jnp
import numpy as np

VOCAB = 1000000
EMB = 32

def setup_inputs(seed: int = 0) -> dict:
    key = jax.random.key(seed)
    k1, k2 = jax.random.split(key)
    tokens = jax.random.randint(k1, (16384, 200), 0, VOCAB, dtype=jnp.int64 if jax.config.read('jax_enable_x64') else jnp.int32)
    table = jax.random.normal(k2, (VOCAB, EMB), dtype=jnp.float32)
    return {"tokens": tokens, "table": table}

def reference(tokens, table):
    # TokenEmbedding.forward: embedding(tokens.long()) * sqrt(emb_size)
    emb = jnp.take(table, tokens, axis=0)
    return emb * math.sqrt(EMB)

if __name__ == "__main__":
    import jax
    _d = setup_inputs()
    print(jax.jit(kernel)(*tuple(_d.values())))

</pallas_src>

<mosaic_0001>
#map = affine_map<(d0, d1) -> (0)>
#map1 = affine_map<(d0, d1) -> (0, 0)>
module attributes {stable_mosaic.version = 14 : i64} {
  func.func @k(%arg0: i32, %arg1: i32, %arg2: memref<3276800xi32, #tpu.memory_space<hbm>>, %arg3: memref<1000000x32xf32, #tpu.memory_space<hbm>>, %arg4: memref<3276800x32xf32, #tpu.memory_space<hbm>>, %arg5: memref<512xi32, #tpu.memory_space<vmem>>, %arg6: memref<512xi32, #tpu.memory_space<vmem>>, %arg7: memref<512xi32, #tpu.memory_space<vmem>>, %arg8: memref<512xi32, #tpu.memory_space<vmem>>, %arg9: memref<512xi32, #tpu.memory_space<vmem>>, %arg10: memref<512x32xf32, #tpu.memory_space<vmem>>, %arg11: memref<512x32xf32, #tpu.memory_space<vmem>>, %arg12: memref<512x32xf32, #tpu.memory_space<vmem>>, %arg13: memref<512x32xf32, #tpu.memory_space<vmem>>, %arg14: memref<512x32xf32, #tpu.memory_space<vmem>>, %arg15: memref<!tpu.dma_semaphore, #tpu.memory_space<semaphore_mem>>, %arg16: memref<!tpu.dma_semaphore, #tpu.memory_space<semaphore_mem>>, %arg17: memref<!tpu.dma_semaphore, #tpu.memory_space<semaphore_mem>>, %arg18: memref<!tpu.dma_semaphore, #tpu.memory_space<semaphore_mem>>, %arg19: memref<!tpu.dma_semaphore, #tpu.memory_space<semaphore_mem>>, %arg20: memref<!tpu.dma_semaphore, #tpu.memory_space<semaphore_mem>>, %arg21: memref<!tpu.dma_semaphore, #tpu.memory_space<semaphore_mem>>, %arg22: memref<!tpu.dma_semaphore, #tpu.memory_space<semaphore_mem>>, %arg23: memref<!tpu.dma_semaphore, #tpu.memory_space<semaphore_mem>>, %arg24: memref<!tpu.dma_semaphore, #tpu.memory_space<semaphore_mem>>, %arg25: memref<!tpu.dma_semaphore, #tpu.memory_space<semaphore_mem>>, %arg26: memref<!tpu.dma_semaphore, #tpu.memory_space<semaphore_mem>>, %arg27: memref<!tpu.dma_semaphore, #tpu.memory_space<semaphore_mem>>, %arg28: memref<!tpu.dma_semaphore, #tpu.memory_space<semaphore_mem>>, %arg29: memref<!tpu.dma_semaphore, #tpu.memory_space<semaphore_mem>>) attributes {dimension_semantics = [#tpu.dimension_semantics<core_parallel>, #tpu.dimension_semantics<subcore_parallel>], iteration_bounds = array<i64: 2, 16>, scalar_prefetch = 0 : i64, scratch_operands = 25 : i64, tpu.core_type = #tpu.core_type<sc_vector_subcore>, window_params = [{transform_indices = #map}, {transform_indices = #map1}, {transform_indices = #map1}]} {
    %mul3A = arith.constant 2 : i32
    %mul3A_0 = arith.muli %arg1, %mul3A : i32
    %add3A = arith.addi %mul3A_0, %arg0 : i32
    %mul3A_1 = arith.constant 102400 : i32
    %mul3A_2 = arith.muli %add3A, %mul3A_1 : i32
    %add3A_3 = arith.constant 0 : i32
    %add3A_4 = arith.addi %mul3A_2, %add3A_3 : i32
    %dma_start3A = tpu.memref_slice %arg2[%add3A_4] : memref<3276800xi32, #tpu.memory_space<hbm>> -> memref<512xi32, #tpu.memory_space<hbm>>
    %dma_start3A_5 = tpu.memref_slice %arg2[%add3A_4] : memref<3276800xi32, #tpu.memory_space<hbm>> -> memref<512xi32, #tpu.memory_space<hbm>>
    tpu.enqueue_dma source(%dma_start3A_5 : memref<512xi32, #tpu.memory_space<hbm>>) target(%arg5 : memref<512xi32, #tpu.memory_space<vmem>>) target_semaphore(%arg15 : memref<!tpu.dma_semaphore, #tpu.memory_space<semaphore_mem>>)
    %add3A_6 = arith.constant 512 : i32
    %add3A_7 = arith.addi %mul3A_2, %add3A_6 : i32
    %dma_start3A_8 = tpu.memref_slice %arg2[%add3A_7] : memref<3276800xi32, #tpu.memory_space<hbm>> -> memref<512xi32, #tpu.memory_space<hbm>>
    %dma_start3A_9 = tpu.memref_slice %arg2[%add3A_7] : memref<3276800xi32, #tpu.memory_space<hbm>> -> memref<512xi32, #tpu.memory_space<hbm>>
    tpu.enqueue_dma source(%dma_start3A_9 : memref<512xi32, #tpu.memory_space<hbm>>) target(%arg6 : memref<512xi32, #tpu.memory_space<vmem>>) target_semaphore(%arg16 : memref<!tpu.dma_semaphore, #tpu.memory_space<semaphore_mem>>)
    %add3A_10 = arith.constant 1024 : i32
    %add3A_11 = arith.addi %mul3A_2, %add3A_10 : i32
    %dma_start3A_12 = tpu.memref_slice %arg2[%add3A_11] : memref<3276800xi32, #tpu.memory_space<hbm>> -> memref<512xi32, #tpu.memory_space<hbm>>
    %dma_start3A_13 = tpu.memref_slice %arg2[%add3A_11] : memref<3276800xi32, #tpu.memory_space<hbm>> -> memref<512xi32, #tpu.memory_space<hbm>>
    tpu.enqueue_dma source(%dma_start3A_13 : memref<512xi32, #tpu.memory_space<hbm>>) target(%arg7 : memref<512xi32, #tpu.memory_space<vmem>>) target_semaphore(%arg17 : memref<!tpu.dma_semaphore, #tpu.memory_space<semaphore_mem>>)
    %add3A_14 = arith.constant 1536 : i32
    %add3A_15 = arith.addi %mul3A_2, %add3A_14 : i32
    %dma_start3A_16 = tpu.memref_slice %arg2[%add3A_15] : memref<3276800xi32, #tpu.memory_space<hbm>> -> memref<512xi32, #tpu.memory_space<hbm>>
    %dma_start3A_17 = tpu.memref_slice %arg2[%add3A_15] : memref<3276800xi32, #tpu.memory_space<hbm>> -> memref<512xi32, #tpu.memory_space<hbm>>
    tpu.enqueue_dma source(%dma_start3A_17 : memref<512xi32, #tpu.memory_space<hbm>>) target(%arg8 : memref<512xi32, #tpu.memory_space<vmem>>) target_semaphore(%arg18 : memref<!tpu.dma_semaphore, #tpu.memory_space<semaphore_mem>>)
    %add3A_18 = arith.constant 2048 : i32
    %add3A_19 = arith.addi %mul3A_2, %add3A_18 : i32
    %dma_start3A_20 = tpu.memref_slice %arg2[%add3A_19] : memref<3276800xi32, #tpu.memory_space<hbm>> -> memref<512xi32, #tpu.memory_space<hbm>>
    %dma_start3A_21 = tpu.memref_slice %arg2[%add3A_19] : memref<3276800xi32, #tpu.memory_space<hbm>> -> memref<512xi32, #tpu.memory_space<hbm>>
    tpu.enqueue_dma source(%dma_start3A_21 : memref<512xi32, #tpu.memory_space<hbm>>) target(%arg9 : memref<512xi32, #tpu.memory_space<vmem>>) target_semaphore(%arg19 : memref<!tpu.dma_semaphore, #tpu.memory_space<semaphore_mem>>)
    %scan3A = arith.constant 0 : i32
    %scan3A_22 = arith.constant 0 : i32
    %scan3A_23 = arith.constant 41 : i32
    %scan3A_24 = arith.addi %scan3A_22, %scan3A_23 : i32
    %scan3A_25 = arith.constant 1 : i32
    scf.for %scan3A_46 = %scan3A_22 to %scan3A_24 step %scan3A_25  : i32 {
      %mul3A_47 = arith.constant 5 : i32
      %mul3A_48 = arith.muli %scan3A_46, %mul3A_47 : i32
      %add3A_49 = arith.constant 0 : i32
      %add3A_50 = arith.addi %mul3A_48, %add3A_49 : i32
      %lt3A = arith.constant 200 : i32
      %lt3A_51 = arith.cmpi slt, %add3A_50, %lt3A : i32
      %convert_element_type3A = arith.extui %lt3A_51 : i1 to i32
      %cond3A = arith.constant 0 : i32
      %cond3A_52 = arith.cmpi ne, %convert_element_type3A, %cond3A : i32
      scf.if %cond3A_52 {
        %dma_wait3A_136 = tpu.memref_slice %arg2[%mul3A_2] : memref<3276800xi32, #tpu.memory_space<hbm>> -> memref<512xi32, #tpu.memory_space<hbm>>
        %dma_wait3A_137 = tpu.memref_slice %arg2[%mul3A_2] : memref<3276800xi32, #tpu.memory_space<hbm>> -> memref<512xi32, #tpu.memory_space<hbm>>
        tpu.wait_dma2 semaphore(%arg15 : memref<!tpu.dma_semaphore, #tpu.memory_space<semaphore_mem>>) src(%dma_wait3A_137 : memref<512xi32, #tpu.memory_space<hbm>>) dst(%arg5 : memref<512xi32, #tpu.memory_space<vmem>>)
        %ge3A_138 = arith.constant 5 : i32
        %ge3A_139 = arith.cmpi sge, %add3A_50, %ge3A_138 : i32
        %convert_element_type3A_140 = arith.extui %ge3A_139 : i1 to i32
        %cond3A_141 = arith.constant 0 : i32
        %cond3A_142 = arith.cmpi ne, %convert_element_type3A_140, %cond3A_141 : i32
        scf.if %cond3A_142 {
          %dma_wait3A_146 = arith.constant 0 : i32
          %dma_wait3A_147 = tpu.memref_slice %arg4[%mul3A_2, %dma_wait3A_146] : memref<3276800x32xf32, #tpu.memory_space<hbm>> -> memref<512x32xf32, #tpu.memory_space<hbm>>
          %dma_wait3A_148 = arith.constant 0 : i32
          %dma_wait3A_149 = tpu.memref_slice %arg4[%mul3A_2, %dma_wait3A_148] : memref<3276800x32xf32, #tpu.memory_space<hbm>> -> memref<512x32xf32, #tpu.memory_space<hbm>>
          tpu.wait_dma2 semaphore(%arg25 : memref<!tpu.dma_semaphore, #tpu.memory_space<semaphore_mem>>) src(%arg10 : memref<512x32xf32, #tpu.memory_space<vmem>>) dst(%dma_wait3A_149 : memref<512x32xf32, #tpu.memory_space<hbm>>)
        } else {
        }
        %dma_start3A_143 = arith.constant 0 : i32
        %dma_start3A_144 = arith.constant 0 : i32
        %dma_start3A_145 = tpu.memref_slice %arg3[%dma_start3A_143, %dma_start3A_144] : memref<1000000x32xf32, #tpu.memory_space<hbm>> -> memref<1000000x32xf32, #tpu.memory_space<hbm>>
        tpu.enqueue_indirect_dma source(%dma_start3A_145 : memref<1000000x32xf32, #tpu.memory_space<hbm>>) target(%arg10 : memref<512x32xf32, #tpu.memory_space<vmem>>) offsets(%arg5 : memref<512xi32, #tpu.memory_space<vmem>>) semaphore(%arg20 : memref<!tpu.dma_semaphore, #tpu.memory_space<semaphore_mem>>)
      } else {
      }
      %sub3A = arith.constant 2 : i32
      %sub3A_53 = arith.subi %add3A_50, %sub3A : i32
      %ge3A = arith.constant 2 : i32
      %ge3A_54 = arith.cmpi sge, %add3A_50, %ge3A : i32
      %lt3A_55 = arith.constant 200 : i32
      %lt3A_56 = arith.cmpi slt, %sub3A_53, %lt3A_55 : i32
      %and3A = arith.andi %ge3A_54, %lt3A_56 : i1
      %convert_element_type3A_57 = arith.extui %and3A : i1 to i32
      %cond3A_58 = arith.constant 0 : i32
      %cond3A_59 = arith.cmpi ne, %convert_element_type3A_57, %cond3A_58 : i32
      scf.if %cond3A_59 {
        %dma_wait3A_136 = arith.constant 0 : i32
        %dma_wait3A_137 = arith.constant 0 : i32
        %dma_wait3A_138 = tpu.memref_slice %arg3[%dma_wait3A_136, %dma_wait3A_137] : memref<1000000x32xf32, #tpu.memory_space<hbm>> -> memref<1000000x32xf32, #tpu.memory_space<hbm>>
        tpu.wait_indirect_dma semaphore(%arg23 : memref<!tpu.dma_semaphore, #tpu.memory_space<semaphore_mem>>) src(%dma_wait3A_138 : memref<1000000x32xf32, #tpu.memory_space<hbm>>) dst(%arg13 : memref<512x32xf32, #tpu.memory_space<vmem>>)
        %add3A_139 = arith.constant 5 : i32
        %add3A_140 = arith.addi %sub3A_53, %add3A_139 : i32
        %lt3A_141 = arith.constant 200 : i32
        %lt3A_142 = arith.cmpi slt, %add3A_140, %lt3A_141 : i32
        %convert_element_type3A_143 = arith.extui %lt3A_142 : i1 to i32
        %cond3A_144 = arith.constant 0 : i32
        %cond3A_145 = arith.cmpi ne, %convert_element_type3A_143, %cond3A_144 : i32
        scf.if %cond3A_145 {
          %add3A_159 = arith.constant 5 : i32
          %add3A_160 = arith.addi %sub3A_53, %add3A_159 : i32
          %mul3A_161 = arith.constant 512 : i32
          %mul3A_162 = arith.muli %add3A_160, %mul3A_161 : i32
          %add3A_163 = arith.addi %mul3A_2, %mul3A_162 : i32
          %dma_start3A_164 = tpu.memref_slice %arg2[%add3A_163] : memref<3276800xi32, #tpu.memory_space<hbm>> -> memref<512xi32, #tpu.memory_space<hbm>>
          %dma_start3A_165 = tpu.memref_slice %arg2[%add3A_163] : memref<3276800xi32, #tpu.memory_space<hbm>> -> memref<512xi32, #tpu.memory_space<hbm>>
          tpu.enqueue_dma source(%dma_start3A_165 : memref<512xi32, #tpu.memory_space<hbm>>) target(%arg8 : memref<512xi32, #tpu.memory_space<vmem>>) target_semaphore(%arg18 : memref<!tpu.dma_semaphore, #tpu.memory_space<semaphore_mem>>)
        } else {
        }
        %scan3A_146 = arith.constant 0 : i32
        %scan3A_147 = arith.constant 0 : i32
        %scan3A_148 = arith.constant 512 : i32
        %scan3A_149 = arith.addi %scan3A_147, %scan3A_148 : i32
        %scan3A_150 = arith.constant 8 : i32
        scf.for %scan3A_159 = %scan3A_147 to %scan3A_149 step %scan3A_150  : i32 {
          %get3A = arith.index_cast %scan3A_159 : i32 to index
          %get3A_160 = arith.constant 0 : index
          %get3A_161 = tpu.vector_load %arg13[%get3A, %get3A_160] {strides = array<i32>} : memref<512x32xf32, #tpu.memory_space<vmem>>, vector<1x16xf32>,
          %get3A_162 = vector.shape_cast %get3A_161 : vector<1x16xf32> to vector<16xf32>
          %mul3A_163 = arith.constant 5.65685415 : f32
          %mul3A_164 = vector.broadcast %mul3A_163 : f32 to vector<16xf32>
          %mul3A_165 = arith.mulf %get3A_162, %mul3A_164 : vector<16xf32>
          %swap3A = arith.index_cast %scan3A_159 : i32 to index
          %swap3A_166 = arith.constant 0 : index
          %swap3A_167 = tpu.vector_load %arg13[%swap3A, %swap3A_166] {strides = array<i32>} : memref<512x32xf32, #tpu.memory_space<vmem>>, vector<1x16xf32>,
          %swap3A_168 = vector.shape_cast %swap3A_167 : vector<1x16xf32> to vector<16xf32>
          %swap3A_169 = vector.shape_cast %mul3A_165 : vector<16xf32> to vector<1x16xf32>
          tpu.vector_store %arg13[%swap3A, %swap3A_166], %swap3A_169 {strides = array<i32>} : memref<512x32xf32, #tpu.memory_space<vmem>>, vector<1x16xf32>,
          %get3A_170 = arith.index_cast %scan3A_159 : i32 to index
          %get3A_171 = arith.constant 16 : index
          %get3A_172 = tpu.vector_load %arg13[%get3A_170, %get3A_171] {strides = array<i32>} : memref<512x32xf32, #tpu.memory_space<vmem>>, vector<1x16xf32>,
          %get3A_173 = vector.shape_cast %get3A_172 : vector<1x16xf32> to vector<16xf32>
          %mul3A_174 = arith.constant 5.65685415 : f32
          %mul3A_175 = vector.broadcast %mul3A_174 : f32 to vector<16xf32>
          %mul3A_176 = arith.mulf %get3A_173, %mul3A_175 : vector<16xf32>
          %swap3A_177 = arith.index_cast %scan3A_159 : i32 to index
          %swap3A_178 = arith.constant 16 : index
          %swap3A_179 = tpu.vector_load %arg13[%swap3A_177, %swap3A_178] {strides = array<i32>} : memref<512x32xf32, #tpu.memory_space<vmem>>, vector<1x16xf32>,
          %swap3A_180 = vector.shape_cast %swap3A_179 : vector<1x16xf32> to vector<16xf32>
          %swap3A_181 = vector.shape_cast %mul3A_176 : vector<16xf32> to vector<1x16xf32>
          tpu.vector_store %arg13[%swap3A_177, %swap3A_178], %swap3A_181 {strides = array<i32>} : memref<512x32xf32, #tpu.memory_space<vmem>>, vector<1x16xf32>,
          %scan3A_182 = arith.constant 1 : i32
          %scan3A_183 = arith.addi %scan3A_159, %scan3A_182 : i32
          %get3A_184 = arith.index_cast %scan3A_183 : i32 to index
          %get3A_185 = arith.constant 0 : index
          %get3A_186 = tpu.vector_load %arg13[%get3A_184, %get3A_185] {strides = array<i32>} : memref<512x32xf32, #tpu.memory_space<vmem>>, vector<1x16xf32>,
          %get3A_187 = vector.shape_cast %get3A_186 : vector<1x16xf32> to vector<16xf32>
          %mul3A_188 = arith.constant 5.65685415 : f32
          %mul3A_189 = vector.broadcast %mul3A_188 : f32 to vector<16xf32>
          %mul3A_190 = arith.mulf %get3A_187, %mul3A_189 : vector<16xf32>
          %swap3A_191 = arith.index_cast %scan3A_183 : i32 to index
          %swap3A_192 = arith.constant 0 : index
          %swap3A_193 = tpu.vector_load %arg13[%swap3A_191, %swap3A_192] {strides = array<i32>} : memref<512x32xf32, #tpu.memory_space<vmem>>, vector<1x16xf32>,
          %swap3A_194 = vector.shape_cast %swap3A_193 : vector<1x16xf32> to vector<16xf32>
          %swap3A_195 = vector.shape_cast %mul3A_190 : vector<16xf32> to vector<1x16xf32>
          tpu.vector_store %arg13[%swap3A_191, %swap3A_192], %swap3A_195 {strides = array<i32>} : memref<512x32xf32, #tpu.memory_space<vmem>>, vector<1x16xf32>,
          %get3A_196 = arith.index_cast %scan3A_183 : i32 to index
          %get3A_197 = arith.constant 16 : index
          %get3A_198 = tpu.vector_load %arg13[%get3A_196, %get3A_197] {strides = array<i32>} : memref<512x32xf32, #tpu.memory_space<vmem>>, vector<1x16xf32>,
          %get3A_199 = vector.shape_cast %get3A_198 : vector<1x16xf32> to vector<16xf32>
          %mul3A_200 = arith.constant 5.65685415 : f32
          %mul3A_201 = vector.broadcast %mul3A_200 : f32 to vector<16xf32>
          %mul3A_202 = arith.mulf %get3A_199, %mul3A_201 : vector<16xf32>
          %swap3A_203 = arith.index_cast %scan3A_183 : i32 to index
          %swap3A_204 = arith.constant 16 : index
          %swap3A_205 = tpu.vector_load %arg13[%swap3A_203, %swap3A_204] {strides = array<i32>} : memref<512x32xf32, #tpu.memory_space<vmem>>, vector<1x16xf32>,
          %swap3A_206 = vector.shape_cast %swap3A_205 : vector<1x16xf32> to vector<16xf32>
          %swap3A_207 = vector.shape_cast %mul3A_202 : vector<16xf32> to vector<1x16xf32>
          tpu.vector_store %arg13[%swap3A_203, %swap3A_204], %swap3A_207 {strides = array<i32>} : memref<512x32xf32, #tpu.memory_space<vmem>>, vector<1x16xf32>,
          %scan3A_208 = arith.constant 2 : i32
          %scan3A_209 = arith.addi %scan3A_159, %scan3A_208 : i32
          %get3A_210 = arith.index_cast %scan3A_209 : i32 to index
          %get3A_211 = arith.constant 0 : index
          %get3A_212 = tpu.vector_load %arg13[%get3A_210, %get3A_211] {strides = array<i32>} : memref<512x32xf32, #tpu.memory_space<vmem>>, vector<1x16xf32>,
          %get3A_213 = vector.shape_cast %get3A_212 : vector<1x16xf32> to vector<16xf32>
          %mul3A_214 = arith.constant 5.65685415 : f32
          %mul3A_215 = vector.broadcast %mul3A_214 : f32 to vector<16xf32>
          %mul3A_216 = arith.mulf %get3A_213, %mul3A_215 : vector<16xf32>
          %swap3A_217 = arith.index_cast %scan3A_209 : i32 to index
          %swap3A_218 = arith.constant 0 : index
          %swap3A_219 = tpu.vector_load %arg13[%swap3A_217, %swap3A_218] {strides = array<i32>} : memref<512x32xf32, #tpu.memory_space<vmem>>, vector<1x16xf32>,
          %swap3A_220 = vector.shape_cast %swap3A_219 : vector<1x16xf32> to vector<16xf32>
          %swap3A_221 = vector.shape_cast %mul3A_216 : vector<16xf32> to vector<1x16xf32>
          tpu.vector_store %arg13[%swap3A_217, %swap3A_218], %swap3A_221 {strides = array<i32>} : memref<512x32xf32, #tpu.memory_space<vmem>>, vector<1x16xf32>,
          %get3A_222 = arith.index_cast %scan3A_209 : i32 to index
          %get3A_223 = arith.constant 16 : index
          %get3A_224 = tpu.vector_load %arg13[%get3A_222, %get3A_223] {strides = array<i32>} : memref<512x32xf32, #tpu.memory_space<vmem>>, vector<1x16xf32>,
          %get3A_225 = vector.shape_cast %get3A_224 : vector<1x16xf32> to vector<16xf32>
          %mul3A_226 = arith.constant 5.65685415 : f32
          %mul3A_227 = vector.broadcast %mul3A_226 : f32 to vector<16xf32>
          %mul3A_228 = arith.mulf %get3A_225, %mul3A_227 : vector<16xf32>
          %swap3A_229 = arith.index_cast %scan3A_209 : i32 to index
          %swap3A_230 = arith.constant 16 : index
          %swap3A_231 = tpu.vector_load %arg13[%swap3A_229, %swap3A_230] {strides = array<i32>} : memref<512x32xf32, #tpu.memory_space<vmem>>, vector<1x16xf32>,
          %swap3A_232 = vector.shape_cast %swap3A_231 : vector<1x16xf32> to vector<16xf32>
          %swap3A_233 = vector.shape_cast %mul3A_228 : vector<16xf32> to vector<1x16xf32>
          tpu.vector_store %arg13[%swap3A_229, %swap3A_230], %swap3A_233 {strides = array<i32>} : memref<512x32xf32, #tpu.memory_space<vmem>>, vector<1x16xf32>,
          %scan3A_234 = arith.constant 3 : i32
          %scan3A_235 = arith.addi %scan3A_159, %scan3A_234 : i32
          %get3A_236 = arith.index_cast %scan3A_235 : i32 to index
          %get3A_237 = arith.constant 0 : index
          %get3A_238 = tpu.vector_load %arg13[%get3A_236, %get3A_237] {strides = array<i32>} : memref<512x32xf32, #tpu.memory_space<vmem>>, vector<1x16xf32>,
          %get3A_239 = vector.shape_cast %get3A_238 : vector<1x16xf32> to vector<16xf32>
          %mul3A_240 = arith.constant 5.65685415 : f32
          %mul3A_241 = vector.broadcast %mul3A_240 : f32 to vector<16xf32>
          %mul3A_242 = arith.mulf %get3A_239, %mul3A_241 : vector<16xf32>
          %swap3A_243 = arith.index_cast %scan3A_235 : i32 to index
          %swap3A_244 = arith.constant 0 : index
          %swap3A_245 = tpu.vector_load %arg13[%swap3A_243, %swap3A_244] {strides = array<i32>} : memref<512x32xf32, #tpu.memory_space<vmem>>, vector<1x16xf32>,
          %swap3A_246 = vector.shape_cast %swap3A_245 : vector<1x16xf32> to vector<16xf32>
          %swap3A_247 = vector.shape_cast %mul3A_242 : vector<16xf32> to vector<1x16xf32>
          tpu.vector_store %arg13[%swap3A_243, %swap3A_244], %swap3A_247 {strides = array<i32>} : memref<512x32xf32, #tpu.memory_space<vmem>>, vector<1x16xf32>,
          %get3A_248 = arith.index_cast %scan3A_235 : i32 to index
          %get3A_249 = arith.constant 16 : index
          %get3A_250 = tpu.vector_load %arg13[%get3A_248, %get3A_249] {strides = array<i32>} : memref<512x32xf32, #tpu.memory_space<vmem>>, vector<1x16xf32>,
          %get3A_251 = vector.shape_cast %get3A_250 : vector<1x16xf32> to vector<16xf32>
          %mul3A_252 = arith.constant 5.65685415 : f32
          %mul3A_253 = vector.broadcast %mul3A_252 : f32 to vector<16xf32>
          %mul3A_254 = arith.mulf %get3A_251, %mul3A_253 : vector<16xf32>
          %swap3A_255 = arith.index_cast %scan3A_235 : i32 to index
          %swap3A_256 = arith.constant 16 : index
          %swap3A_257 = tpu.vector_load %arg13[%swap3A_255, %swap3A_256] {strides = array<i32>} : memref<512x32xf32, #tpu.memory_space<vmem>>, vector<1x16xf32>,
          %swap3A_258 = vector.shape_cast %swap3A_257 : vector<1x16xf32> to vector<16xf32>
          %swap3A_259 = vector.shape_cast %mul3A_254 : vector<16xf32> to vector<1x16xf32>
          tpu.vector_store %arg13[%swap3A_255, %swap3A_256], %swap3A_259 {strides = array<i32>} : memref<512x32xf32, #tpu.memory_space<vmem>>, vector<1x16xf32>,
          %scan3A_260 = arith.constant 4 : i32
          %scan3A_261 = arith.addi %scan3A_159, %scan3A_260 : i32
          %get3A_262 = arith.index_cast %scan3A_261 : i32 to index
          %get3A_263 = arith.constant 0 : index
          %get3A_264 = tpu.vector_load %arg13[%get3A_262, %get3A_263] {strides = array<i32>} : memref<512x32xf32, #tpu.memory_space<vmem>>, vector<1x16xf32>,
          %get3A_265 = vector.shape_cast %get3A_264 : vector<1x16xf32> to vector<16xf32>
          %mul3A_266 = arith.constant 5.65685415 : f32
          %mul3A_267 = vector.broadcast %mul3A_266 : f32 to vector<16xf32>
          %mul3A_268 = arith.mulf %get3A_265, %mul3A_267 : vector<16xf32>
          %swap3A_269 = arith.index_cast %scan3A_261 : i32 to index
          %swap3A_270 = arith.constant 0 : index
          %swap3A_271 = tpu.vector_load %arg13[%swap3A_269, %swap3A_270] {strides = array<i32>} : memref<512x32xf32, #tpu.memory_space<vmem>>, vector<1x16xf32>,
          %swap3A_272 = vector.shape_cast %swap3A_271 : vector<1x16xf32> to vector<16xf32>
          %swap3A_273 = vector.shape_cast %mul3A_268 : vector<16xf32> to vector<1x16xf32>
          tpu.vector_store %arg13[%swap3A_269, %swap3A_270], %swap3A_273 {strides = array<i32>} : memref<512x32xf32, #tpu.memory_space<vmem>>, vector<1x16xf32>,
          %get3A_274 = arith.index_cast %scan3A_261 : i32 to index
          %get3A_275 = arith.constant 16 : index
          %get3A_276 = tpu.vector_load %arg13[%get3A_274, %get3A_275] {strides = array<i32>} : memref<512x32xf32, #tpu.memory_space<vmem>>, vector<1x16xf32>,
          %get3A_277 = vector.shape_cast %get3A_276 : vector<1x16xf32> to vector<16xf32>
          %mul3A_278 = arith.constant 5.65685415 : f32
          %mul3A_279 = vector.broadcast %mul3A_278 : f32 to vector<16xf32>
          %mul3A_280 = arith.mulf %get3A_277, %mul3A_279 : vector<16xf32>
          %swap3A_281 = arith.index_cast %scan3A_261 : i32 to index
          %swap3A_282 = arith.constant 16 : index
          %swap3A_283 = tpu.vector_load %arg13[%swap3A_281, %swap3A_282] {strides = array<i32>} : memref<512x32xf32, #tpu.memory_space<vmem>>, vector<1x16xf32>,
          %swap3A_284 = vector.shape_cast %swap3A_283 : vector<1x16xf32> to vector<16xf32>
          %swap3A_285 = vector.shape_cast %mul3A_280 : vector<16xf32> to vector<1x16xf32>
          tpu.vector_store %arg13[%swap3A_281, %swap3A_282], %swap3A_285 {strides = array<i32>} : memref<512x32xf32, #tpu.memory_space<vmem>>, vector<1x16xf32>,
          %scan3A_286 = arith.constant 5 : i32
          %scan3A_287 = arith.addi %scan3A_159, %scan3A_286 : i32
          %get3A_288 = arith.index_cast %scan3A_287 : i32 to index
          %get3A_289 = arith.constant 0 : index
          %get3A_290 = tpu.vector_load %arg13[%get3A_288, %get3A_289] {strides = array<i32>} : memref<512x32xf32, #tpu.memory_space<vmem>>, vector<1x16xf32>,
          %get3A_291 = vector.shape_cast %get3A_290 : vector<1x16xf32> to vector<16xf32>
          %mul3A_292 = arith.constant 5.65685415 : f32
          %mul3A_293 = vector.broadcast %mul3A_292 : f32 to vector<16xf32>
          %mul3A_294 = arith.mulf %get3A_291, %mul3A_293 : vector<16xf32>
          %swap3A_295 = arith.index_cast %scan3A_287 : i32 to index
          %swap3A_296 = arith.constant 0 : index
          %swap3A_297 = tpu.vector_load %arg13[%swap3A_295, %swap3A_296] {strides = array<i32>} : memref<512x32xf32, #tpu.memory_space<vmem>>, vector<1x16xf32>,
          %swap3A_298 = vector.shape_cast %swap3A_297 : vector<1x16xf32> to vector<16xf32>
          %swap3A_299 = vector.shape_cast %mul3A_294 : vector<16xf32> to vector<1x16xf32>
          tpu.vector_store %arg13[%swap3A_295, %swap3A_296], %swap3A_299 {strides = array<i32>} : memref<512x32xf32, #tpu.memory_space<vmem>>, vector<1x16xf32>,
          %get3A_300 = arith.index_cast %scan3A_287 : i32 to index
          %get3A_301 = arith.constant 16 : index
          %get3A_302 = tpu.vector_load %arg13[%get3A_300, %get3A_301] {strides = array<i32>} : memref<512x32xf32, #tpu.memory_space<vmem>>, vector<1x16xf32>,
          %get3A_303 = vector.shape_cast %get3A_302 : vector<1x16xf32> to vector<16xf32>
          %mul3A_304 = arith.constant 5.65685415 : f32
          %mul3A_305 = vector.broadcast %mul3A_304 : f32 to vector<16xf32>
          %mul3A_306 = arith.mulf %get3A_303, %mul3A_305 : vector<16xf32>
          %swap3A_307 = arith.index_cast %scan3A_287 : i32 to index
          %swap3A_308 = arith.constant 16 : index
          %swap3A_309 = tpu.vector_load %arg13[%swap3A_307, %swap3A_308] {strides = array<i32>} : memref<512x32xf32, #tpu.memory_space<vmem>>, vector<1x16xf32>,
          %swap3A_310 = vector.shape_cast %swap3A_309 : vector<1x16xf32> to vector<16xf32>
          %swap3A_311 = vector.shape_cast %mul3A_306 : vector<16xf32> to vector<1x16xf32>
          tpu.vector_store %arg13[%swap3A_307, %swap3A_308], %swap3A_311 {strides = array<i32>} : memref<512x32xf32, #tpu.memory_space<vmem>>, vector<1x16xf32>,
          %scan3A_312 = arith.constant 6 : i32
          %scan3A_313 = arith.addi %scan3A_159, %scan3A_312 : i32
          %get3A_314 = arith.index_cast %scan3A_313 : i32 to index
          %get3A_315 = arith.constant 0 : index
          %get3A_316 = tpu.vector_load %arg13[%get3A_314, %get3A_315] {strides = array<i32>} : memref<512x32xf32, #tpu.memory_space<vmem>>, vector<1x16xf32>,
          %get3A_317 = vector.shape_cast %get3A_316 : vector<1x16xf32> to vector<16xf32>
          %mul3A_318 = arith.constant 5.65685415 : f32
          %mul3A_319 = vector.broadcast %mul3A_318 : f32 to vector<16xf32>
          %mul3A_320 = arith.mulf %get3A_317, %mul3A_319 : vector<16xf32>
          %swap3A_321 = arith.index_cast %scan3A_313 : i32 to index
          %swap3A_322 = arith.constant 0 : index
          %swap3A_323 = tpu.vector_load %arg13[%swap3A_321, %swap3A_322] {strides = array<i32>} : memref<512x32xf32, #tpu.memory_space<vmem>>, vector<1x16xf32>,
          %swap3A_324 = vector.shape_cast %swap3A_323 : vector<1x16xf32> to vector<16xf32>
          %swap3A_325 = vector.shape_cast %mul3A_320 : vector<16xf32> to vector<1x16xf32>
          tpu.vector_store %arg13[%swap3A_321, %swap3A_322], %swap3A_325 {strides = array<i32>} : memref<512x32xf32, #tpu.memory_space<vmem>>, vector<1x16xf32>,
          %get3A_326 = arith.index_cast %scan3A_313 : i32 to index
          %get3A_327 = arith.constant 16 : index
          %get3A_328 = tpu.vector_load %arg13[%get3A_326, %get3A_327] {strides = array<i32>} : memref<512x32xf32, #tpu.memory_space<vmem>>, vector<1x16xf32>,
          %get3A_329 = vector.shape_cast %get3A_328 : vector<1x16xf32> to vector<16xf32>
          %mul3A_330 = arith.constant 5.65685415 : f32
          %mul3A_331 = vector.broadcast %mul3A_330 : f32 to vector<16xf32>
          %mul3A_332 = arith.mulf %get3A_329, %mul3A_331 : vector<16xf32>
          %swap3A_333 = arith.index_cast %scan3A_313 : i32 to index
          %swap3A_334 = arith.constant 16 : index
          %swap3A_335 = tpu.vector_load %arg13[%swap3A_333, %swap3A_334] {strides = array<i32>} : memref<512x32xf32, #tpu.memory_space<vmem>>, vector<1x16xf32>,
          %swap3A_336 = vector.shape_cast %swap3A_335 : vector<1x16xf32> to vector<16xf32>
          %swap3A_337 = vector.shape_cast %mul3A_332 : vector<16xf32> to vector<1x16xf32>
          tpu.vector_store %arg13[%swap3A_333, %swap3A_334], %swap3A_337 {strides = array<i32>} : memref<512x32xf32, #tpu.memory_space<vmem>>, vector<1x16xf32>,
          %scan3A_338 = arith.constant 7 : i32
          %scan3A_339 = arith.addi %scan3A_159, %scan3A_338 : i32
          %get3A_340 = arith.index_cast %scan3A_339 : i32 to index
          %get3A_341 = arith.constant 0 : index
          %get3A_342 = tpu.vector_load %arg13[%get3A_340, %get3A_341] {strides = array<i32>} : memref<512x32xf32, #tpu.memory_space<vmem>>, vector<1x16xf32>,
          %get3A_343 = vector.shape_cast %get3A_342 : vector<1x16xf32> to vector<16xf32>
          %mul3A_344 = arith.constant 5.65685415 : f32
          %mul3A_345 = vector.broadcast %mul3A_344 : f32 to vector<16xf32>
          %mul3A_346 = arith.mulf %get3A_343, %mul3A_345 : vector<16xf32>
          %swap3A_347 = arith.index_cast %scan3A_339 : i32 to index
          %swap3A_348 = arith.constant 0 : index
          %swap3A_349 = tpu.vector_load %arg13[%swap3A_347, %swap3A_348] {strides = array<i32>} : memref<512x32xf32, #tpu.memory_space<vmem>>, vector<1x16xf32>,
          %swap3A_350 = vector.shape_cast %swap3A_349 : vector<1x16xf32> to vector<16xf32>
          %swap3A_351 = vector.shape_cast %mul3A_346 : vector<16xf32> to vector<1x16xf32>
          tpu.vector_store %arg13[%swap3A_347, %swap3A_348], %swap3A_351 {strides = array<i32>} : memref<512x32xf32, #tpu.memory_space<vmem>>, vector<1x16xf32>,
          %get3A_352 = arith.index_cast %scan3A_339 : i32 to index
          %get3A_353 = arith.constant 16 : index
          %get3A_354 = tpu.vector_load %arg13[%get3A_352, %get3A_353] {strides = array<i32>} : memref<512x32xf32, #tpu.memory_space<vmem>>, vector<1x16xf32>,
          %get3A_355 = vector.shape_cast %get3A_354 : vector<1x16xf32> to vector<16xf32>
          %mul3A_356 = arith.constant 5.65685415 : f32
          %mul3A_357 = vector.broadcast %mul3A_356 : f32 to vector<16xf32>
          %mul3A_358 = arith.mulf %get3A_355, %mul3A_357 : vector<16xf32>
          %swap3A_359 = arith.index_cast %scan3A_339 : i32 to index
          %swap3A_360 = arith.constant 16 : index
          %swap3A_361 = tpu.vector_load %arg13[%swap3A_359, %swap3A_360] {strides = array<i32>} : memref<512x32xf32, #tpu.memory_space<vmem>>, vector<1x16xf32>,
          %swap3A_362 = vector.shape_cast %swap3A_361 : vector<1x16xf32> to vector<16xf32>
          %swap3A_363 = vector.shape_cast %mul3A_358 : vector<16xf32> to vector<1x16xf32>
          tpu.vector_store %arg13[%swap3A_359, %swap3A_360], %swap3A_363 {strides = array<i32>} : memref<512x32xf32, #tpu.memory_space<vmem>>, vector<1x16xf32>,
        }
        %scan3A_151 = arith.constant 512 : i32
        %mul3A_152 = arith.constant 512 : i32
        %mul3A_153 = arith.muli %sub3A_53, %mul3A_152 : i32
        %add3A_154 = arith.addi %mul3A_2, %mul3A_153 : i32
        %dma_start3A_155 = arith.constant 0 : i32
        %dma_start3A_156 = tpu.memref_slice %arg4[%add3A_154, %dma_start3A_155] : memref<3276800x32xf32, #tpu.memory_space<hbm>> -> memref<512x32xf32, #tpu.memory_space<hbm>>
        %dma_start3A_157 = arith.constant 0 : i32
        %dma_start3A_158 = tpu.memref_slice %arg4[%add3A_154, %dma_start3A_157] : memref<3276800x32xf32, #tpu.memory_space<hbm>> -> memref<512x32xf32, #tpu.memory_space<hbm>>
        tpu.enqueue_dma source(%arg13 : memref<512x32xf32, #tpu.memory_space<vmem>>) target(%dma_start3A_158 : memref<512x32xf32, #tpu.memory_space<hbm>>) target_semaphore(%arg28 : memref<!tpu.dma_semaphore, #tpu.memory_space<semaphore_mem>>)
      } else {
      }
      %mul3A_60 = arith.constant 5 : i32
      %mul3A_61 = arith.muli %scan3A_46, %mul3A_60 : i32
      %add3A_62 = arith.constant 1 : i32
      %add3A_63 = arith.addi %mul3A_61, %add3A_62 : i32
      %lt3A_64 = arith.constant 200 : i32
      %lt3A_65 = arith.cmpi slt, %add3A_63, %lt3A_64 : i32
      %convert_element_type3A_66 = arith.extui %lt3A_65 : i1 to i32
      %cond3A_67 = arith.constant 0 : i32
      %cond3A_68 = arith.cmpi ne, %convert_element_type3A_66, %cond3A_67 : i32
      scf.if %cond3A_68 {
        %dma_wait3A_136 = tpu.memref_slice %arg2[%mul3A_2] : memref<3276800xi32, #tpu.memory_space<hbm>> -> memref<512xi32, #tpu.memory_space<hbm>>
        %dma_wait3A_137 = tpu.memref_slice %arg2[%mul3A_2] : memref<3276800xi32, #tpu.memory_space<hbm>> -> memref<512xi32, #tpu.memory_space<hbm>>
        tpu.wait_dma2 semaphore(%arg16 : memref<!tpu.dma_semaphore, #tpu.memory_space<semaphore_mem>>) src(%dma_wait3A_137 : memref<512xi32, #tpu.memory_space<hbm>>) dst(%arg6 : memref<512xi32, #tpu.memory_space<vmem>>)
        %ge3A_138 = arith.constant 5 : i32
        %ge3A_139 = arith.cmpi sge, %add3A_63, %ge3A_138 : i32
        %convert_element_type3A_140 = arith.extui %ge3A_139 : i1 to i32
        %cond3A_141 = arith.constant 0 : i32
        %cond3A_142 = arith.cmpi ne, %convert_element_type3A_140, %cond3A_141 : i32
        scf.if %cond3A_142 {
          %dma_wait3A_146 = arith.constant 0 : i32
          %dma_wait3A_147 = tpu.memref_slice %arg4[%mul3A_2, %dma_wait3A_146] : memref<3276800x32xf32, #tpu.memory_space<hbm>> -> memref<512x32xf32, #tpu.memory_space<hbm>>
          %dma_wait3A_148 = arith.constant 0 : i32
          %dma_wait3A_149 = tpu.memref_slice %arg4[%mul3A_2, %dma_wait3A_148] : memref<3276800x32xf32, #tpu.memory_space<hbm>> -> memref<512x32xf32, #tpu.memory_space<hbm>>
          tpu.wait_dma2 semaphore(%arg26 : memref<!tpu.dma_semaphore, #tpu.memory_space<semaphore_mem>>) src(%arg11 : memref<512x32xf32, #tpu.memory_space<vmem>>) dst(%dma_wait3A_149 : memref<512x32xf32, #tpu.memory_space<hbm>>)
        } else {
        }
        %dma_start3A_143 = arith.constant 0 : i32
        %dma_start3A_144 = arith.constant 0 : i32
        %dma_start3A_145 = tpu.memref_slice %arg3[%dma_start3A_143, %dma_start3A_144] : memref<1000000x32xf32, #tpu.memory_space<hbm>> -> memref<1000000x32xf32, #tpu.memory_space<hbm>>
        tpu.enqueue_indirect_dma source(%dma_start3A_145 : memref<1000000x32xf32, #tpu.memory_space<hbm>>) target(%arg11 : memref<512x32xf32, #tpu.memory_space<vmem>>) offsets(%arg6 : memref<512xi32, #tpu.memory_space<vmem>>) semaphore(%arg21 : memref<!tpu.dma_semaphore, #tpu.memory_space<semaphore_mem>>)
      } else {
      }
      %sub3A_69 = arith.constant 2 : i32
      %sub3A_70 = arith.subi %add3A_63, %sub3A_69 : i32
      %ge3A_71 = arith.constant 2 : i32
      %ge3A_72 = arith.cmpi sge, %add3A_63, %ge3A_71 : i32
      %lt3A_73 = arith.constant 200 : i32
      %lt3A_74 = arith.cmpi slt, %sub3A_70, %lt3A_73 : i32
      %and3A_75 = arith.andi %ge3A_72, %lt3A_74 : i1
      %convert_element_type3A_76 = arith.extui %and3A_75 : i1 to i32
      %cond3A_77 = arith.constant 0 : i32
      %cond3A_78 = arith.cmpi ne, %convert_element_type3A_76, %cond3A_77 : i32
      scf.if %cond3A_78 {
        %dma_wait3A_136 = arith.constant 0 : i32
        %dma_wait3A_137 = arith.constant 0 : i32
        %dma_wait3A_138 = tpu.memref_slice %arg3[%dma_wait3A_136, %dma_wait3A_137] : memref<1000000x32xf32, #tpu.memory_space<hbm>> -> memref<1000000x32xf32, #tpu.memory_space<hbm>>
        tpu.wait_indirect_dma semaphore(%arg24 : memref<!tpu.dma_semaphore, #tpu.memory_space<semaphore_mem>>) src(%dma_wait3A_138 : memref<1000000x32xf32, #tpu.memory_space<hbm>>) dst(%arg14 : memref<512x32xf32, #tpu.memory_space<vmem>>)
        %add3A_139 = arith.constant 5 : i32
        %add3A_140 = arith.addi %sub3A_70, %add3A_139 : i32
        %lt3A_141 = arith.constant 200 : i32
        %lt3A_142 = arith.cmpi slt, %add3A_140, %lt3A_141 : i32
        %convert_element_type3A_143 = arith.extui %lt3A_142 : i1 to i32
        %cond3A_144 = arith.constant 0 : i32
        %cond3A_145 = arith.cmpi ne, %convert_element_type3A_143, %cond3A_144 : i32
        scf.if %cond3A_145 {
          %add3A_159 = arith.constant 5 : i32
          %add3A_160 = arith.addi %sub3A_70, %add3A_159 : i32
          %mul3A_161 = arith.constant 512 : i32
          %mul3A_162 = arith.muli %add3A_160, %mul3A_161 : i32
          %add3A_163 = arith.addi %mul3A_2, %mul3A_162 : i32
          %dma_start3A_164 = tpu.memref_slice %arg2[%add3A_163] : memref<3276800xi32, #tpu.memory_space<hbm>> -> memref<512xi32, #tpu.memory_space<hbm>>
          %dma_start3A_165 = tpu.memref_slice %arg2[%add3A_163] : memref<3276800xi32, #tpu.memory_space<hbm>> -> memref<512xi32, #tpu.memory_space<hbm>>
          tpu.enqueue_dma source(%dma_start3A_165 : memref<512xi32, #tpu.memory_space<hbm>>) target(%arg9 : memref<512xi32, #tpu.memory_space<vmem>>) target_semaphore(%arg19 : memref<!tpu.dma_semaphore, #tpu.memory_space<semaphore_mem>>)
        } else {
        }
        %scan3A_146 = arith.constant 0 : i32
        %scan3A_147 = arith.constant 0 : i32
        %scan3A_148 = arith.constant 512 : i32
        %scan3A_149 = arith.addi %scan3A_147, %scan3A_148 : i32
        %scan3A_150 = arith.constant 8 : i32
        scf.for %scan3A_159 = %scan3A_147 to %scan3A_149 step %scan3A_150  : i32 {
          %get3A = arith.index_cast %scan3A_159 : i32 to index
          %get3A_160 = arith.constant 0 : index
          %get3A_161 = tpu.vector_load %arg14[%get3A, %get3A_160] {strides = array<i32>} : memref<512x32xf32, #tpu.memory_space<vmem>>, vector<1x16xf32>,
          %get3A_162 = vector.shape_cast %get3A_161 : vector<1x16xf32> to vector<16xf32>
          %mul3A_163 = arith.constant 5.65685415 : f32
          %mul3A_164 = vector.broadcast %mul3A_163 : f32 to vector<16xf32>
          %mul3A_165 = arith.mulf %get3A_162, %mul3A_164 : vector<16xf32>
          %swap3A = arith.index_cast %scan3A_159 : i32 to index
          %swap3A_166 = arith.constant 0 : index
          %swap3A_167 = tpu.vector_load %arg14[%swap3A, %swap3A_166] {strides = array<i32>} : memref<512x32xf32, #tpu.memory_space<vmem>>, vector<1x16xf32>,
          %swap3A_168 = vector.shape_cast %swap3A_167 : vector<1x16xf32> to vector<16xf32>
          %swap3A_169 = vector.shape_cast %mul3A_165 : vector<16xf32> to vector<1x16xf32>
          tpu.vector_store %arg14[%swap3A, %swap3A_166], %swap3A_169 {strides = array<i32>} : memref<512x32xf32, #tpu.memory_space<vmem>>, vector<1x16xf32>,
          %get3A_170 = arith.index_cast %scan3A_159 : i32 to index
          %get3A_171 = arith.constant 16 : index
          %get3A_172 = tpu.vector_load %arg14[%get3A_170, %get3A_171] {strides = array<i32>} : memref<512x32xf32, #tpu.memory_space<vmem>>, vector<1x16xf32>,
          %get3A_173 = vector.shape_cast %get3A_172 : vector<1x16xf32> to vector<16xf32>
          %mul3A_174 = arith.constant 5.65685415 : f32
          %mul3A_175 = vector.broadcast %mul3A_174 : f32 to vector<16xf32>
          %mul3A_176 = arith.mulf %get3A_173, %mul3A_175 : vector<16xf32>
          %swap3A_177 = arith.index_cast %scan3A_159 : i32 to index
          %swap3A_178 = arith.constant 16 : index
          %swap3A_179 = tpu.vector_load %arg14[%swap3A_177, %swap3A_178] {strides = array<i32>} : memref<512x32xf32, #tpu.memory_space<vmem>>, vector<1x16xf32>,
          %swap3A_180 = vector.shape_cast %swap3A_179 : vector<1x16xf32> to vector<16xf32>
          %swap3A_181 = vector.shape_cast %mul3A_176 : vector<16xf32> to vector<1x16xf32>
          tpu.vector_store %arg14[%swap3A_177, %swap3A_178], %swap3A_181 {strides = array<i32>} : memref<512x32xf32, #tpu.memory_space<vmem>>, vector<1x16xf32>,
          %scan3A_182 = arith.constant 1 : i32
          %scan3A_183 = arith.addi %scan3A_159, %scan3A_182 : i32
          %get3A_184 = arith.index_cast %scan3A_183 : i32 to index
          %get3A_185 = arith.constant 0 : index
          %get3A_186 = tpu.vector_load %arg14[%get3A_184, %get3A_185] {strides = array<i32>} : memref<512x32xf32, #tpu.memory_space<vmem>>, vector<1x16xf32>,
          %get3A_187 = vector.shape_cast %get3A_186 : vector<1x16xf32> to vector<16xf32>
          %mul3A_188 = arith.constant 5.65685415 : f32
          %mul3A_189 = vector.broadcast %mul3A_188 : f32 to vector<16xf32>
          %mul3A_190 = arith.mulf %get3A_187, %mul3A_189 : vector<16xf32>
          %swap3A_191 = arith.index_cast %scan3A_183 : i32 to index
          %swap3A_192 = arith.constant 0 : index
          %swap3A_193 = tpu.vector_load %arg14[%swap3A_191, %swap3A_192] {strides = array<i32>} : memref<512x32xf32, #tpu.memory_space<vmem>>, vector<1x16xf32>,
          %swap3A_194 = vector.shape_cast %swap3A_193 : vector<1x16xf32> to vector<16xf32>
          %swap3A_195 = vector.shape_cast %mul3A_190 : vector<16xf32> to vector<1x16xf32>
          tpu.vector_store %arg14[%swap3A_191, %swap3A_192], %swap3A_195 {strides = array<i32>} : memref<512x32xf32, #tpu.memory_space<vmem>>, vector<1x16xf32>,
          %get3A_196 = arith.index_cast %scan3A_183 : i32 to index
          %get3A_197 = arith.constant 16 : index
          %get3A_198 = tpu.vector_load %arg14[%get3A_196, %get3A_197] {strides = array<i32>} : memref<512x32xf32, #tpu.memory_space<vmem>>, vector<1x16xf32>,
          %get3A_199 = vector.shape_cast %get3A_198 : vector<1x16xf32> to vector<16xf32>
          %mul3A_200 = arith.constant 5.65685415 : f32
          %mul3A_201 = vector.broadcast %mul3A_200 : f32 to vector<16xf32>
          %mul3A_202 = arith.mulf %get3A_199, %mul3A_201 : vector<16xf32>
          %swap3A_203 = arith.index_cast %scan3A_183 : i32 to index
          %swap3A_204 = arith.constant 16 : index
          %swap3A_205 = tpu.vector_load %arg14[%swap3A_203, %swap3A_204] {strides = array<i32>} : memref<512x32xf32, #tpu.memory_space<vmem>>, vector<1x16xf32>,
          %swap3A_206 = vector.shape_cast %swap3A_205 : vector<1x16xf32> to vector<16xf32>
          %swap3A_207 = vector.shape_cast %mul3A_202 : vector<16xf32> to vector<1x16xf32>
          tpu.vector_store %arg14[%swap3A_203, %swap3A_204], %swap3A_207 {strides = array<i32>} : memref<512x32xf32, #tpu.memory_space<vmem>>, vector<1x16xf32>,
          %scan3A_208 = arith.constant 2 : i32
          %scan3A_209 = arith.addi %scan3A_159, %scan3A_208 : i32
          %get3A_210 = arith.index_cast %scan3A_209 : i32 to index
          %get3A_211 = arith.constant 0 : index
          %get3A_212 = tpu.vector_load %arg14[%get3A_210, %get3A_211] {strides = array<i32>} : memref<512x32xf32, #tpu.memory_space<vmem>>, vector<1x16xf32>,
          %get3A_213 = vector.shape_cast %get3A_212 : vector<1x16xf32> to vector<16xf32>
          %mul3A_214 = arith.constant 5.65685415 : f32
          %mul3A_215 = vector.broadcast %mul3A_214 : f32 to vector<16xf32>
          %mul3A_216 = arith.mulf %get3A_213, %mul3A_215 : vector<16xf32>
          %swap3A_217 = arith.index_cast %scan3A_209 : i32 to index
          %swap3A_218 = arith.constant 0 : index
          %swap3A_219 = tpu.vector_load %arg14[%swap3A_217, %swap3A_218] {strides = array<i32>} : memref<512x32xf32, #tpu.memory_space<vmem>>, vector<1x16xf32>,
          %swap3A_220 = vector.shape_cast %swap3A_219 : vector<1x16xf32> to vector<16xf32>
          %swap3A_221 = vector.shape_cast %mul3A_216 : vector<16xf32> to vector<1x16xf32>
          tpu.vector_store %arg14[%swap3A_217, %swap3A_218], %swap3A_221 {strides = array<i32>} : memref<512x32xf32, #tpu.memory_space<vmem>>, vector<1x16xf32>,
          %get3A_222 = arith.index_cast %scan3A_209 : i32 to index
          %get3A_223 = arith.constant 16 : index
          %get3A_224 = tpu.vector_load %arg14[%get3A_222, %get3A_223] {strides = array<i32>} : memref<512x32xf32, #tpu.memory_space<vmem>>, vector<1x16xf32>,
          %get3A_225 = vector.shape_cast %get3A_224 : vector<1x16xf32> to vector<16xf32>
          %mul3A_226 = arith.constant 5.65685415 : f32
          %mul3A_227 = vector.broadcast %mul3A_226 : f32 to vector<16xf32>
          %mul3A_228 = arith.mulf %get3A_225, %mul3A_227 : vector<16xf32>
          %swap3A_229 = arith.index_cast %scan3A_209 : i32 to index
          %swap3A_230 = arith.constant 16 : index
          %swap3A_231 = tpu.vector_load %arg14[%swap3A_229, %swap3A_230] {strides = array<i32>} : memref<512x32xf32, #tpu.memory_space<vmem>>, vector<1x16xf32>,
          %swap3A_232 = vector.shape_cast %swap3A_231 : vector<1x16xf32> to vector<16xf32>
          %swap3A_233 = vector.shape_cast %mul3A_228 : vector<16xf32> to vector<1x16xf32>
          tpu.vector_store %arg14[%swap3A_229, %swap3A_230], %swap3A_233 {strides = array<i32>} : memref<512x32xf32, #tpu.memory_space<vmem>>, vector<1x16xf32>,
          %scan3A_234 = arith.constant 3 : i32
          %scan3A_235 = arith.addi %scan3A_159, %scan3A_234 : i32
          %get3A_236 = arith.index_cast %scan3A_235 : i32 to index
          %get3A_237 = arith.constant 0 : index
          %get3A_238 = tpu.vector_load %arg14[%get3A_236, %get3A_237] {strides = array<i32>} : memref<512x32xf32, #tpu.memory_space<vmem>>, vector<1x16xf32>,
          %get3A_239 = vector.shape_cast %get3A_238 : vector<1x16xf32> to vector<16xf32>
          %mul3A_240 = arith.constant 5.65685415 : f32
          %mul3A_241 = vector.broadcast %mul3A_240 : f32 to vector<16xf32>
          %mul3A_242 = arith.mulf %get3A_239, %mul3A_241 : vector<16xf32>
          %swap3A_243 = arith.index_cast %scan3A_235 : i32 to index
          %swap3A_244 = arith.constant 0 : index
          %swap3A_245 = tpu.vector_load %arg14[%swap3A_243, %swap3A_244] {strides = array<i32>} : memref<512x32xf32, #tpu.memory_space<vmem>>, vector<1x16xf32>,
          %swap3A_246 = vector.shape_cast %swap3A_245 : vector<1x16xf32> to vector<16xf32>
          %swap3A_247 = vector.shape_cast %mul3A_242 : vector<16xf32> to vector<1x16xf32>
          tpu.vector_store %arg14[%swap3A_243, %swap3A_244], %swap3A_247 {strides = array<i32>} : memref<512x32xf32, #tpu.memory_space<vmem>>, vector<1x16xf32>,
          %get3A_248 = arith.index_cast %scan3A_235 : i32 to index
          %get3A_249 = arith.constant 16 : index
          %get3A_250 = tpu.vector_load %arg14[%get3A_248, %get3A_249] {strides = array<i32>} : memref<512x32xf32, #tpu.memory_space<vmem>>, vector<1x16xf32>,
          %get3A_251 = vector.shape_cast %get3A_250 : vector<1x16xf32> to vector<16xf32>
          %mul3A_252 = arith.constant 5.65685415 : f32
          %mul3A_253 = vector.broadcast %mul3A_252 : f32 to vector<16xf32>
          %mul3A_254 = arith.mulf %get3A_251, %mul3A_253 : vector<16xf32>
          %swap3A_255 = arith.index_cast %scan3A_235 : i32 to index
          %swap3A_256 = arith.constant 16 : index
          %swap3A_257 = tpu.vector_load %arg14[%swap3A_255, %swap3A_256] {strides = array<i32>} : memref<512x32xf32, #tpu.memory_space<vmem>>, vector<1x16xf32>,
          %swap3A_258 = vector.shape_cast %swap3A_257 : vector<1x16xf32> to vector<16xf32>
          %swap3A_259 = vector.shape_cast %mul3A_254 : vector<16xf32> to vector<1x16xf32>
          tpu.vector_store %arg14[%swap3A_255, %swap3A_256], %swap3A_259 {strides = array<i32>} : memref<512x32xf32, #tpu.memory_space<vmem>>, vector<1x16xf32>,
          %scan3A_260 = arith.constant 4 : i32
          %scan3A_261 = arith.addi %scan3A_159, %scan3A_260 : i32
          %get3A_262 = arith.index_cast %scan3A_261 : i32 to index
          %get3A_263 = arith.constant 0 : index
          %get3A_264 = tpu.vector_load %arg14[%get3A_262, %get3A_263] {strides = array<i32>} : memref<512x32xf32, #tpu.memory_space<vmem>>, vector<1x16xf32>,
          %get3A_265 = vector.shape_cast %get3A_264 : vector<1x16xf32> to vector<16xf32>
          %mul3A_266 = arith.constant 5.65685415 : f32
          %mul3A_267 = vector.broadcast %mul3A_266 : f32 to vector<16xf32>
          %mul3A_268 = arith.mulf %get3A_265, %mul3A_267 : vector<16xf32>
          %swap3A_269 = arith.index_cast %scan3A_261 : i32 to index
          %swap3A_270 = arith.constant 0 : index
          %swap3A_271 = tpu.vector_load %arg14[%swap3A_269, %swap3A_270] {strides = array<i32>} : memref<512x32xf32, #tpu.memory_space<vmem>>, vector<1x16xf32>,
          %swap3A_272 = vector.shape_cast %swap3A_271 : vector<1x16xf32> to vector<16xf32>
          %swap3A_273 = vector.shape_cast %mul3A_268 : vector<16xf32> to vector<1x16xf32>
          tpu.vector_store %arg14[%swap3A_269, %swap3A_270], %swap3A_273 {strides = array<i32>} : memref<512x32xf32, #tpu.memory_space<vmem>>, vector<1x16xf32>,
          %get3A_274 = arith.index_cast %scan3A_261 : i32 to index
          %get3A_275 = arith.constant 16 : index
          %get3A_276 = tpu.vector_load %arg14[%get3A_274, %get3A_275] {strides = array<i32>} : memref<512x32xf32, #tpu.memory_space<vmem>>, vector<1x16xf32>,
          %get3A_277 = vector.shape_cast %get3A_276 : vector<1x16xf32> to vector<16xf32>
          %mul3A_278 = arith.constant 5.65685415 : f32
          %mul3A_279 = vector.broadcast %mul3A_278 : f32 to vector<16xf32>
          %mul3A_280 = arith.mulf %get3A_277, %mul3A_279 : vector<16xf32>
          %swap3A_281 = arith.index_cast %scan3A_261 : i32 to index
          %swap3A_282 = arith.constant 16 : index
          %swap3A_283 = tpu.vector_load %arg14[%swap3A_281, %swap3A_282] {strides = array<i32>} : memref<512x32xf32, #tpu.memory_space<vmem>>, vector<1x16xf32>,
          %swap3A_284 = vector.shape_cast %swap3A_283 : vector<1x16xf32> to vector<16xf32>
          %swap3A_285 = vector.shape_cast %mul3A_280 : vector<16xf32> to vector<1x16xf32>
          tpu.vector_store %arg14[%swap3A_281, %swap3A_282], %swap3A_285 {strides = array<i32>} : memref<512x32xf32, #tpu.memory_space<vmem>>, vector<1x16xf32>,
          %scan3A_286 = arith.constant 5 : i32
          %scan3A_287 = arith.addi %scan3A_159, %scan3A_286 : i32
          %get3A_288 = arith.index_cast %scan3A_287 : i32 to index
          %get3A_289 = arith.constant 0 : index
          %get3A_290 = tpu.vector_load %arg14[%get3A_288, %get3A_289] {strides = array<i32>} : memref<512x32xf32, #tpu.memory_space<vmem>>, vector<1x16xf32>,
          %get3A_291 = vector.shape_cast %get3A_290 : vector<1x16xf32> to vector<16xf32>
          %mul3A_292 = arith.constant 5.65685415 : f32
          %mul3A_293 = vector.broadcast %mul3A_292 : f32 to vector<16xf32>
          %mul3A_294 = arith.mulf %get3A_291, %mul3A_293 : vector<16xf32>
          %swap3A_295 = arith.index_cast %scan3A_287 : i32 to index
          %swap3A_296 = arith.constant 0 : index
          %swap3A_297 = tpu.vector_load %arg14[%swap3A_295, %swap3A_296] {strides = array<i32>} : memref<512x32xf32, #tpu.memory_space<vmem>>, vector<1x16xf32>,
          %swap3A_298 = vector.shape_cast %swap3A_297 : vector<1x16xf32> to vector<16xf32>
          %swap3A_299 = vector.shape_cast %mul3A_294 : vector<16xf32> to vector<1x16xf32>
          tpu.vector_store %arg14[%swap3A_295, %swap3A_296], %swap3A_299 {strides = array<i32>} : memref<512x32xf32, #tpu.memory_space<vmem>>, vector<1x16xf32>,
          %get3A_300 = arith.index_cast %scan3A_287 : i32 to index
          %get3A_301 = arith.constant 16 : index
          %get3A_302 = tpu.vector_load %arg14[%get3A_300, %get3A_301] {strides = array<i32>} : memref<512x32xf32, #tpu.memory_space<vmem>>, vector<1x16xf32>,
          %get3A_303 = vector.shape_cast %get3A_302 : vector<1x16xf32> to vector<16xf32>
          %mul3A_304 = arith.constant 5.65685415 : f32
          %mul3A_305 = vector.broadcast %mul3A_304 : f32 to vector<16xf32>
          %mul3A_306 = arith.mulf %get3A_303, %mul3A_305 : vector<16xf32>
          %swap3A_307 = arith.index_cast %scan3A_287 : i32 to index
          %swap3A_308 = arith.constant 16 : index
          %swap3A_309 = tpu.vector_load %arg14[%swap3A_307, %swap3A_308] {strides = array<i32>} : memref<512x32xf32, #tpu.memory_space<vmem>>, vector<1x16xf32>,
          %swap3A_310 = vector.shape_cast %swap3A_309 : vector<1x16xf32> to vector<16xf32>
          %swap3A_311 = vector.shape_cast %mul3A_306 : vector<16xf32> to vector<1x16xf32>
          tpu.vector_store %arg14[%swap3A_307, %swap3A_308], %swap3A_311 {strides = array<i32>} : memref<512x32xf32, #tpu.memory_space<vmem>>, vector<1x16xf32>,
          %scan3A_312 = arith.constant 6 : i32
          %scan3A_313 = arith.addi %scan3A_159, %scan3A_312 : i32
          %get3A_314 = arith.index_cast %scan3A_313 : i32 to index
          %get3A_315 = arith.constant 0 : index
          %get3A_316 = tpu.vector_load %arg14[%get3A_314, %get3A_315] {strides = array<i32>} : memref<512x32xf32, #tpu.memory_space<vmem>>, vector<1x16xf32>,
          %get3A_317 = vector.shape_cast %get3A_316 : vector<1x16xf32> to vector<16xf32>
          %mul3A_318 = arith.constant 5.65685415 : f32
          %mul3A_319 = vector.broadcast %mul3A_318 : f32 to vector<16xf32>
          %mul3A_320 = arith.mulf %get3A_317, %mul3A_319 : vector<16xf32>
          %swap3A_321 = arith.index_cast %scan3A_313 : i32 to index
          %swap3A_322 = arith.constant 0 : index
          %swap3A_323 = tpu.vector_load %arg14[%swap3A_321, %swap3A_322] {strides = array<i32>} : memref<512x32xf32, #tpu.memory_space<vmem>>, vector<1x16xf32>,
          %swap3A_324 = vector.shape_cast %swap3A_323 : vector<1x16xf32> to vector<16xf32>
          %swap3A_325 = vector.shape_cast %mul3A_320 : vector<16xf32> to vector<1x16xf32>
          tpu.vector_store %arg14[%swap3A_321, %swap3A_322], %swap3A_325 {strides = array<i32>} : memref<512x32xf32, #tpu.memory_space<vmem>>, vector<1x16xf32>,
          %get3A_326 = arith.index_cast %scan3A_313 : i32 to index
          %get3A_327 = arith.constant 16 : index
          %get3A_328 = tpu.vector_load %arg14[%get3A_326, %get3A_327] {strides = array<i32>} : memref<512x32xf32, #tpu.memory_space<vmem>>, vector<1x16xf32>,
          %get3A_329 = vector.shape_cast %get3A_328 : vector<1x16xf32> to vector<16xf32>
          %mul3A_330 = arith.constant 5.65685415 : f32
          %mul3A_331 = vector.broadcast %mul3A_330 : f32 to vector<16xf32>
          %mul3A_332 = arith.mulf %get3A_329, %mul3A_331 : vector<16xf32>
          %swap3A_333 = arith.index_cast %scan3A_313 : i32 to index
          %swap3A_334 = arith.constant 16 : index
          %swap3A_335 = tpu.vector_load %arg14[%swap3A_333, %swap3A_334] {strides = array<i32>} : memref<512x32xf32, #tpu.memory_space<vmem>>, vector<1x16xf32>,
          %swap3A_336 = vector.shape_cast %swap3A_335 : vector<1x16xf32> to vector<16xf32>
          %swap3A_337 = vector.shape_cast %mul3A_332 : vector<16xf32> to vector<1x16xf32>
          tpu.vector_store %arg14[%swap3A_333, %swap3A_334], %swap3A_337 {strides = array<i32>} : memref<512x32xf32, #tpu.memory_space<vmem>>, vector<1x16xf32>,
          %scan3A_338 = arith.constant 7 : i32
          %scan3A_339 = arith.addi %scan3A_159, %scan3A_338 : i32
          %get3A_340 = arith.index_cast %scan3A_339 : i32 to index
          %get3A_341 = arith.constant 0 : index
          %get3A_342 = tpu.vector_load %arg14[%get3A_340, %get3A_341] {strides = array<i32>} : memref<512x32xf32, #tpu.memory_space<vmem>>, vector<1x16xf32>,
          %get3A_343 = vector.shape_cast %get3A_342 : vector<1x16xf32> to vector<16xf32>
          %mul3A_344 = arith.constant 5.65685415 : f32
          %mul3A_345 = vector.broadcast %mul3A_344 : f32 to vector<16xf32>
          %mul3A_346 = arith.mulf %get3A_343, %mul3A_345 : vector<16xf32>
          %swap3A_347 = arith.index_cast %scan3A_339 : i32 to index
          %swap3A_348 = arith.constant 0 : index
          %swap3A_349 = tpu.vector_load %arg14[%swap3A_347, %swap3A_348] {strides = array<i32>} : memref<512x32xf32, #tpu.memory_space<vmem>>, vector<1x16xf32>,
          %swap3A_350 = vector.shape_cast %swap3A_349 : vector<1x16xf32> to vector<16xf32>
          %swap3A_351 = vector.shape_cast %mul3A_346 : vector<16xf32> to vector<1x16xf32>
          tpu.vector_store %arg14[%swap3A_347, %swap3A_348], %swap3A_351 {strides = array<i32>} : memref<512x32xf32, #tpu.memory_space<vmem>>, vector<1x16xf32>,
          %get3A_352 = arith.index_cast %scan3A_339 : i32 to index
          %get3A_353 = arith.constant 16 : index
          %get3A_354 = tpu.vector_load %arg14[%get3A_352, %get3A_353] {strides = array<i32>} : memref<512x32xf32, #tpu.memory_space<vmem>>, vector<1x16xf32>,
          %get3A_355 = vector.shape_cast %get3A_354 : vector<1x16xf32> to vector<16xf32>
          %mul3A_356 = arith.constant 5.65685415 : f32
          %mul3A_357 = vector.broadcast %mul3A_356 : f32 to vector<16xf32>
          %mul3A_358 = arith.mulf %get3A_355, %mul3A_357 : vector<16xf32>
          %swap3A_359 = arith.index_cast %scan3A_339 : i32 to index
          %swap3A_360 = arith.constant 16 : index
          %swap3A_361 = tpu.vector_load %arg14[%swap3A_359, %swap3A_360] {strides = array<i32>} : memref<512x32xf32, #tpu.memory_space<vmem>>, vector<1x16xf32>,
          %swap3A_362 = vector.shape_cast %swap3A_361 : vector<1x16xf32> to vector<16xf32>
          %swap3A_363 = vector.shape_cast %mul3A_358 : vector<16xf32> to vector<1x16xf32>
          tpu.vector_store %arg14[%swap3A_359, %swap3A_360], %swap3A_363 {strides = array<i32>} : memref<512x32xf32, #tpu.memory_space<vmem>>, vector<1x16xf32>,
        }
        %scan3A_151 = arith.constant 512 : i32
        %mul3A_152 = arith.constant 512 : i32
        %mul3A_153 = arith.muli %sub3A_70, %mul3A_152 : i32
        %add3A_154 = arith.addi %mul3A_2, %mul3A_153 : i32
        %dma_start3A_155 = arith.constant 0 : i32
        %dma_start3A_156 = tpu.memref_slice %arg4[%add3A_154, %dma_start3A_155] : memref<3276800x32xf32, #tpu.memory_space<hbm>> -> memref<512x32xf32, #tpu.memory_space<hbm>>
        %dma_start3A_157 = arith.constant 0 : i32
        %dma_start3A_158 = tpu.memref_slice %arg4[%add3A_154, %dma_start3A_157] : memref<3276800x32xf32, #tpu.memory_space<hbm>> -> memref<512x32xf32, #tpu.memory_space<hbm>>
        tpu.enqueue_dma source(%arg14 : memref<512x32xf32, #tpu.memory_space<vmem>>) target(%dma_start3A_158 : memref<512x32xf32, #tpu.memory_space<hbm>>) target_semaphore(%arg29 : memref<!tpu.dma_semaphore, #tpu.memory_space<semaphore_mem>>)
      } else {
      }
      %mul3A_79 = arith.constant 5 : i32
      %mul3A_80 = arith.muli %scan3A_46, %mul3A_79 : i32
      %add3A_81 = arith.constant 2 : i32
      %add3A_82 = arith.addi %mul3A_80, %add3A_81 : i32
      %lt3A_83 = arith.constant 200 : i32
      %lt3A_84 = arith.cmpi slt, %add3A_82, %lt3A_83 : i32
      %convert_element_type3A_85 = arith.extui %lt3A_84 : i1 to i32
      %cond3A_86 = arith.constant 0 : i32
      %cond3A_87 = arith.cmpi ne, %convert_element_type3A_85, %cond3A_86 : i32
      scf.if %cond3A_87 {
        %dma_wait3A_136 = tpu.memref_slice %arg2[%mul3A_2] : memref<3276800xi32, #tpu.memory_space<hbm>> -> memref<512xi32, #tpu.memory_space<hbm>>
        %dma_wait3A_137 = tpu.memref_slice %arg2[%mul3A_2] : memref<3276800xi32, #tpu.memory_space<hbm>> -> memref<512xi32, #tpu.memory_space<hbm>>
        tpu.wait_dma2 semaphore(%arg17 : memref<!tpu.dma_semaphore, #tpu.memory_space<semaphore_mem>>) src(%dma_wait3A_137 : memref<512xi32, #tpu.memory_space<hbm>>) dst(%arg7 : memref<512xi32, #tpu.memory_space<vmem>>)
        %ge3A_138 = arith.constant 5 : i32
        %ge3A_139 = arith.cmpi sge, %add3A_82, %ge3A_138 : i32
        %convert_element_type3A_140 = arith.extui %ge3A_139 : i1 to i32
        %cond3A_141 = arith.constant 0 : i32
        %cond3A_142 = arith.cmpi ne, %convert_element_type3A_140, %cond3A_141 : i32
        scf.if %cond3A_142 {
          %dma_wait3A_146 = arith.constant 0 : i32
          %dma_wait3A_147 = tpu.memref_slice %arg4[%mul3A_2, %dma_wait3A_146] : memref<3276800x32xf32, #tpu.memory_space<hbm>> -> memref<512x32xf32, #tpu.memory_space<hbm>>
          %dma_wait3A_148 = arith.constant 0 : i32
          %dma_wait3A_149 = tpu.memref_slice %arg4[%mul3A_2, %dma_wait3A_148] : memref<3276800x32xf32, #tpu.memory_space<hbm>> -> memref<512x32xf32, #tpu.memory_space<hbm>>
          tpu.wait_dma2 semaphore(%arg27 : memref<!tpu.dma_semaphore, #tpu.memory_space<semaphore_mem>>) src(%arg12 : memref<512x32xf32, #tpu.memory_space<vmem>>) dst(%dma_wait3A_149 : memref<512x32xf32, #tpu.memory_space<hbm>>)
        } else {
        }
        %dma_start3A_143 = arith.constant 0 : i32
        %dma_start3A_144 = arith.constant 0 : i32
        %dma_start3A_145 = tpu.memref_slice %arg3[%dma_start3A_143, %dma_start3A_144] : memref<1000000x32xf32, #tpu.memory_space<hbm>> -> memref<1000000x32xf32, #tpu.memory_space<hbm>>
        tpu.enqueue_indirect_dma source(%dma_start3A_145 : memref<1000000x32xf32, #tpu.memory_space<hbm>>) target(%arg12 : memref<512x32xf32, #tpu.memory_space<vmem>>) offsets(%arg7 : memref<512xi32, #tpu.memory_space<vmem>>) semaphore(%arg22 : memref<!tpu.dma_semaphore, #tpu.memory_space<semaphore_mem>>)
      } else {
      }
      %sub3A_88 = arith.constant 2 : i32
      %sub3A_89 = arith.subi %add3A_82, %sub3A_88 : i32
      %ge3A_90 = arith.constant 2 : i32
      %ge3A_91 = arith.cmpi sge, %add3A_82, %ge3A_90 : i32
      %lt3A_92 = arith.constant 200 : i32
      %lt3A_93 = arith.cmpi slt, %sub3A_89, %lt3A_92 : i32
      %and3A_94 = arith.andi %ge3A_91, %lt3A_93 : i1
      %convert_element_type3A_95 = arith.extui %and3A_94 : i1 to i32
      %cond3A_96 = arith.constant 0 : i32
      %cond3A_97 = arith.cmpi ne, %convert_element_type3A_95, %cond3A_96 : i32
      scf.if %cond3A_97 {
        %dma_wait3A_136 = arith.constant 0 : i32
        %dma_wait3A_137 = arith.constant 0 : i32
        %dma_wait3A_138 = tpu.memref_slice %arg3[%dma_wait3A_136, %dma_wait3A_137] : memref<1000000x32xf32, #tpu.memory_space<hbm>> -> memref<1000000x32xf32, #tpu.memory_space<hbm>>
        tpu.wait_indirect_dma semaphore(%arg20 : memref<!tpu.dma_semaphore, #tpu.memory_space<semaphore_mem>>) src(%dma_wait3A_138 : memref<1000000x32xf32, #tpu.memory_space<hbm>>) dst(%arg10 : memref<512x32xf32, #tpu.memory_space<vmem>>)
        %add3A_139 = arith.constant 5 : i32
        %add3A_140 = arith.addi %sub3A_89, %add3A_139 : i32
        %lt3A_141 = arith.constant 200 : i32
        %lt3A_142 = arith.cmpi slt, %add3A_140, %lt3A_141 : i32
        %convert_element_type3A_143 = arith.extui %lt3A_142 : i1 to i32
        %cond3A_144 = arith.constant 0 : i32
        %cond3A_145 = arith.cmpi ne, %convert_element_type3A_143, %cond3A_144 : i32
        scf.if %cond3A_145 {
          %add3A_159 = arith.constant 5 : i32
          %add3A_160 = arith.addi %sub3A_89, %add3A_159 : i32
          %mul3A_161 = arith.constant 512 : i32
          %mul3A_162 = arith.muli %add3A_160, %mul3A_161 : i32
          %add3A_163 = arith.addi %mul3A_2, %mul3A_162 : i32
          %dma_start3A_164 = tpu.memref_slice %arg2[%add3A_163] : memref<3276800xi32, #tpu.memory_space<hbm>> -> memref<512xi32, #tpu.memory_space<hbm>>
          %dma_start3A_165 = tpu.memref_slice %arg2[%add3A_163] : memref<3276800xi32, #tpu.memory_space<hbm>> -> memref<512xi32, #tpu.memory_space<hbm>>
          tpu.enqueue_dma source(%dma_start3A_165 : memref<512xi32, #tpu.memory_space<hbm>>) target(%arg5 : memref<512xi32, #tpu.memory_space<vmem>>) target_semaphore(%arg15 : memref<!tpu.dma_semaphore, #tpu.memory_space<semaphore_mem>>)
        } else {
        }
        %scan3A_146 = arith.constant 0 : i32
        %scan3A_147 = arith.constant 0 : i32
        %scan3A_148 = arith.constant 512 : i32
        %scan3A_149 = arith.addi %scan3A_147, %scan3A_148 : i32
        %scan3A_150 = arith.constant 8 : i32
        scf.for %scan3A_159 = %scan3A_147 to %scan3A_149 step %scan3A_150  : i32 {
          %get3A = arith.index_cast %scan3A_159 : i32 to index
          %get3A_160 = arith.constant 0 : index
          %get3A_161 = tpu.vector_load %arg10[%get3A, %get3A_160] {strides = array<i32>} : memref<512x32xf32, #tpu.memory_space<vmem>>, vector<1x16xf32>,
          %get3A_162 = vector.shape_cast %get3A_161 : vector<1x16xf32> to vector<16xf32>
          %mul3A_163 = arith.constant 5.65685415 : f32
          %mul3A_164 = vector.broadcast %mul3A_163 : f32 to vector<16xf32>
          %mul3A_165 = arith.mulf %get3A_162, %mul3A_164 : vector<16xf32>
          %swap3A = arith.index_cast %scan3A_159 : i32 to index
          %swap3A_166 = arith.constant 0 : index
          %swap3A_167 = tpu.vector_load %arg10[%swap3A, %swap3A_166] {strides = array<i32>} : memref<512x32xf32, #tpu.memory_space<vmem>>, vector<1x16xf32>,
          %swap3A_168 = vector.shape_cast %swap3A_167 : vector<1x16xf32> to vector<16xf32>
          %swap3A_169 = vector.shape_cast %mul3A_165 : vector<16xf32> to vector<1x16xf32>
          tpu.vector_store %arg10[%swap3A, %swap3A_166], %swap3A_169 {strides = array<i32>} : memref<512x32xf32, #tpu.memory_space<vmem>>, vector<1x16xf32>,
          %get3A_170 = arith.index_cast %scan3A_159 : i32 to index
          %get3A_171 = arith.constant 16 : index
          %get3A_172 = tpu.vector_load %arg10[%get3A_170, %get3A_171] {strides = array<i32>} : memref<512x32xf32, #tpu.memory_space<vmem>>, vector<1x16xf32>,
          %get3A_173 = vector.shape_cast %get3A_172 : vector<1x16xf32> to vector<16xf32>
          %mul3A_174 = arith.constant 5.65685415 : f32
          %mul3A_175 = vector.broadcast %mul3A_174 : f32 to vector<16xf32>
          %mul3A_176 = arith.mulf %get3A_173, %mul3A_175 : vector<16xf32>
          %swap3A_177 = arith.index_cast %scan3A_159 : i32 to index
          %swap3A_178 = arith.constant 16 : index
          %swap3A_179 = tpu.vector_load %arg10[%swap3A_177, %swap3A_178] {strides = array<i32>} : memref<512x32xf32, #tpu.memory_space<vmem>>, vector<1x16xf32>,
          %swap3A_180 = vector.shape_cast %swap3A_179 : vector<1x16xf32> to vector<16xf32>
          %swap3A_181 = vector.shape_cast %mul3A_176 : vector<16xf32> to vector<1x16xf32>
          tpu.vector_store %arg10[%swap3A_177, %swap3A_178], %swap3A_181 {strides = array<i32>} : memref<512x32xf32, #tpu.memory_space<vmem>>, vector<1x16xf32>,
          %scan3A_182 = arith.constant 1 : i32
          %scan3A_183 = arith.addi %scan3A_159, %scan3A_182 : i32
          %get3A_184 = arith.index_cast %scan3A_183 : i32 to index
          %get3A_185 = arith.constant 0 : index
          %get3A_186 = tpu.vector_load %arg10[%get3A_184, %get3A_185] {strides = array<i32>} : memref<512x32xf32, #tpu.memory_space<vmem>>, vector<1x16xf32>,
          %get3A_187 = vector.shape_cast %get3A_186 : vector<1x16xf32> to vector<16xf32>
          %mul3A_188 = arith.constant 5.65685415 : f32
          %mul3A_189 = vector.broadcast %mul3A_188 : f32 to vector<16xf32>
          %mul3A_190 = arith.mulf %get3A_187, %mul3A_189 : vector<16xf32>
          %swap3A_191 = arith.index_cast %scan3A_183 : i32 to index
          %swap3A_192 = arith.constant 0 : index
          %swap3A_193 = tpu.vector_load %arg10[%swap3A_191, %swap3A_192] {strides = array<i32>} : memref<512x32xf32, #tpu.memory_space<vmem>>, vector<1x16xf32>,
          %swap3A_194 = vector.shape_cast %swap3A_193 : vector<1x16xf32> to vector<16xf32>
          %swap3A_195 = vector.shape_cast %mul3A_190 : vector<16xf32> to vector<1x16xf32>
          tpu.vector_store %arg10[%swap3A_191, %swap3A_192], %swap3A_195 {strides = array<i32>} : memref<512x32xf32, #tpu.memory_space<vmem>>, vector<1x16xf32>,
          %get3A_196 = arith.index_cast %scan3A_183 : i32 to index
          %get3A_197 = arith.constant 16 : index
          %get3A_198 = tpu.vector_load %arg10[%get3A_196, %get3A_197] {strides = array<i32>} : memref<512x32xf32, #tpu.memory_space<vmem>>, vector<1x16xf32>,
          %get3A_199 = vector.shape_cast %get3A_198 : vector<1x16xf32> to vector<16xf32>
          %mul3A_200 = arith.constant 5.65685415 : f32
          %mul3A_201 = vector.broadcast %mul3A_200 : f32 to vector<16xf32>
          %mul3A_202 = arith.mulf %get3A_199, %mul3A_201 : vector<16xf32>
          %swap3A_203 = arith.index_cast %scan3A_183 : i32 to index
          %swap3A_204 = arith.constant 16 : index
          %swap3A_205 = tpu.vector_load %arg10[%swap3A_203, %swap3A_204] {strides = array<i32>} : memref<512x32xf32, #tpu.memory_space<vmem>>, vector<1x16xf32>,
          %swap3A_206 = vector.shape_cast %swap3A_205 : vector<1x16xf32> to vector<16xf32>
          %swap3A_207 = vector.shape_cast %mul3A_202 : vector<16xf32> to vector<1x16xf32>
          tpu.vector_store %arg10[%swap3A_203, %swap3A_204], %swap3A_207 {strides = array<i32>} : memref<512x32xf32, #tpu.memory_space<vmem>>, vector<1x16xf32>,
          %scan3A_208 = arith.constant 2 : i32
          %scan3A_209 = arith.addi %scan3A_159, %scan3A_208 : i32
          %get3A_210 = arith.index_cast %scan3A_209 : i32 to index
          %get3A_211 = arith.constant 0 : index
          %get3A_212 = tpu.vector_load %arg10[%get3A_210, %get3A_211] {strides = array<i32>} : memref<512x32xf32, #tpu.memory_space<vmem>>, vector<1x16xf32>,
          %get3A_213 = vector.shape_cast %get3A_212 : vector<1x16xf32> to vector<16xf32>
          %mul3A_214 = arith.constant 5.65685415 : f32
          %mul3A_215 = vector.broadcast %mul3A_214 : f32 to vector<16xf32>
          %mul3A_216 = arith.mulf %get3A_213, %mul3A_215 : vector<16xf32>
          %swap3A_217 = arith.index_cast %scan3A_209 : i32 to index
          %swap3A_218 = arith.constant 0 : index
          %swap3A_219 = tpu.vector_load %arg10[%swap3A_217, %swap3A_218] {strides = array<i32>} : memref<512x32xf32, #tpu.memory_space<vmem>>, vector<1x16xf32>,
          %swap3A_220 = vector.shape_cast %swap3A_219 : vector<1x16xf32> to vector<16xf32>
          %swap3A_221 = vector.shape_cast %mul3A_216 : vector<16xf32> to vector<1x16xf32>
          tpu.vector_store %arg10[%swap3A_217, %swap3A_218], %swap3A_221 {strides = array<i32>} : memref<512x32xf32, #tpu.memory_space<vmem>>, vector<1x16xf32>,
          %get3A_222 = arith.index_cast %scan3A_209 : i32 to index
          %get3A_223 = arith.constant 16 : index
          %get3A_224 = tpu.vector_load %arg10[%get3A_222, %get3A_223] {strides = array<i32>} : memref<512x32xf32, #tpu.memory_space<vmem>>, vector<1x16xf32>,
          %get3A_225 = vector.shape_cast %get3A_224 : vector<1x16xf32> to vector<16xf32>
          %mul3A_226 = arith.constant 5.65685415 : f32
          %mul3A_227 = vector.broadcast %mul3A_226 : f32 to vector<16xf32>
          %mul3A_228 = arith.mulf %get3A_225, %mul3A_227 : vector<16xf32>
          %swap3A_229 = arith.index_cast %scan3A_209 : i32 to index
          %swap3A_230 = arith.constant 16 : index
          %swap3A_231 = tpu.vector_load %arg10[%swap3A_229, %swap3A_230] {strides = array<i32>} : memref<512x32xf32, #tpu.memory_space<vmem>>, vector<1x16xf32>,
          %swap3A_232 = vector.shape_cast %swap3A_231 : vector<1x16xf32> to vector<16xf32>
          %swap3A_233 = vector.shape_cast %mul3A_228 : vector<16xf32> to vector<1x16xf32>
          tpu.vector_store %arg10[%swap3A_229, %swap3A_230], %swap3A_233 {strides = array<i32>} : memref<512x32xf32, #tpu.memory_space<vmem>>, vector<1x16xf32>,
          %scan3A_234 = arith.constant 3 : i32
          %scan3A_235 = arith.addi %scan3A_159, %scan3A_234 : i32
          %get3A_236 = arith.index_cast %scan3A_235 : i32 to index
          %get3A_237 = arith.constant 0 : index
          %get3A_238 = tpu.vector_load %arg10[%get3A_236, %get3A_237] {strides = array<i32>} : memref<512x32xf32, #tpu.memory_space<vmem>>, vector<1x16xf32>,
          %get3A_239 = vector.shape_cast %get3A_238 : vector<1x16xf32> to vector<16xf32>
          %mul3A_240 = arith.constant 5.65685415 : f32
          %mul3A_241 = vector.broadcast %mul3A_240 : f32 to vector<16xf32>
          %mul3A_242 = arith.mulf %get3A_239, %mul3A_241 : vector<16xf32>
          %swap3A_243 = arith.index_cast %scan3A_235 : i32 to index
          %swap3A_244 = arith.constant 0 : index
          %swap3A_245 = tpu.vector_load %arg10[%swap3A_243, %swap3A_244] {strides = array<i32>} : memref<512x32xf32, #tpu.memory_space<vmem>>, vector<1x16xf32>,
          %swap3A_246 = vector.shape_cast %swap3A_245 : vector<1x16xf32> to vector<16xf32>
          %swap3A_247 = vector.shape_cast %mul3A_242 : vector<16xf32> to vector<1x16xf32>
          tpu.vector_store %arg10[%swap3A_243, %swap3A_244], %swap3A_247 {strides = array<i32>} : memref<512x32xf32, #tpu.memory_space<vmem>>, vector<1x16xf32>,
          %get3A_248 = arith.index_cast %scan3A_235 : i32 to index
          %get3A_249 = arith.constant 16 : index
          %get3A_250 = tpu.vector_load %arg10[%get3A_248, %get3A_249] {strides = array<i32>} : memref<512x32xf32, #tpu.memory_space<vmem>>, vector<1x16xf32>,
          %get3A_251 = vector.shape_cast %get3A_250 : vector<1x16xf32> to vector<16xf32>
          %mul3A_252 = arith.constant 5.65685415 : f32
          %mul3A_253 = vector.broadcast %mul3A_252 : f32 to vector<16xf32>
          %mul3A_254 = arith.mulf %get3A_251, %mul3A_253 : vector<16xf32>
          %swap3A_255 = arith.index_cast %scan3A_235 : i32 to index
          %swap3A_256 = arith.constant 16 : index
          %swap3A_257 = tpu.vector_load %arg10[%swap3A_255, %swap3A_256] {strides = array<i32>} : memref<512x32xf32, #tpu.memory_space<vmem>>, vector<1x16xf32>,
          %swap3A_258 = vector.shape_cast %swap3A_257 : vector<1x16xf32> to vector<16xf32>
          %swap3A_259 = vector.shape_cast %mul3A_254 : vector<16xf32> to vector<1x16xf32>
          tpu.vector_store %arg10[%swap3A_255, %swap3A_256], %swap3A_259 {strides = array<i32>} : memref<512x32xf32, #tpu.memory_space<vmem>>, vector<1x16xf32>,
          %scan3A_260 = arith.constant 4 : i32
          %scan3A_261 = arith.addi %scan3A_159, %scan3A_260 : i32
          %get3A_262 = arith.index_cast %scan3A_261 : i32 to index
          %get3A_263 = arith.constant 0 : index
          %get3A_264 = tpu.vector_load %arg10[%get3A_262, %get3A_263] {strides = array<i32>} : memref<512x32xf32, #tpu.memory_space<vmem>>, vector<1x16xf32>,
          %get3A_265 = vector.shape_cast %get3A_264 : vector<1x16xf32> to vector<16xf32>
          %mul3A_266 = arith.constant 5.65685415 : f32
          %mul3A_267 = vector.broadcast %mul3A_266 : f32 to vector<16xf32>
          %mul3A_268 = arith.mulf %get3A_265, %mul3A_267 : vector<16xf32>
          %swap3A_269 = arith.index_cast %scan3A_261 : i32 to index
          %swap3A_270 = arith.constant 0 : index
          %swap3A_271 = tpu.vector_load %arg10[%swap3A_269, %swap3A_270] {strides = array<i32>} : memref<512x32xf32, #tpu.memory_space<vmem>>, vector<1x16xf32>,
          %swap3A_272 = vector.shape_cast %swap3A_271 : vector<1x16xf32> to vector<16xf32>
          %swap3A_273 = vector.shape_cast %mul3A_268 : vector<16xf32> to vector<1x16xf32>
          tpu.vector_store %arg10[%swap3A_269, %swap3A_270], %swap3A_273 {strides = array<i32>} : memref<512x32xf32, #tpu.memory_space<vmem>>, vector<1x16xf32>,
          %get3A_274 = arith.index_cast %scan3A_261 : i32 to index
          %get3A_275 = arith.constant 16 : index
          %get3A_276 = tpu.vector_load %arg10[%get3A_274, %get3A_275] {strides = array<i32>} : memref<512x32xf32, #tpu.memory_space<vmem>>, vector<1x16xf32>,
          %get3A_277 = vector.shape_cast %get3A_276 : vector<1x16xf32> to vector<16xf32>
          %mul3A_278 = arith.constant 5.65685415 : f32
          %mul3A_279 = vector.broadcast %mul3A_278 : f32 to vector<16xf32>
          %mul3A_280 = arith.mulf %get3A_277, %mul3A_279 : vector<16xf32>
          %swap3A_281 = arith.index_cast %scan3A_261 : i32 to index
          %swap3A_282 = arith.constant 16 : index
          %swap3A_283 = tpu.vector_load %arg10[%swap3A_281, %swap3A_282] {strides = array<i32>} : memref<512x32xf32, #tpu.memory_space<vmem>>, vector<1x16xf32>,
          %swap3A_284 = vector.shape_cast %swap3A_283 : vector<1x16xf32> to vector<16xf32>
          %swap3A_285 = vector.shape_cast %mul3A_280 : vector<16xf32> to vector<1x16xf32>
          tpu.vector_store %arg10[%swap3A_281, %swap3A_282], %swap3A_285 {strides = array<i32>} : memref<512x32xf32, #tpu.memory_space<vmem>>, vector<1x16xf32>,
          %scan3A_286 = arith.constant 5 : i32
          %scan3A_287 = arith.addi %scan3A_159, %scan3A_286 : i32
          %get3A_288 = arith.index_cast %scan3A_287 : i32 to index
          %get3A_289 = arith.constant 0 : index
          %get3A_290 = tpu.vector_load %arg10[%get3A_288, %get3A_289] {strides = array<i32>} : memref<512x32xf32, #tpu.memory_space<vmem>>, vector<1x16xf32>,
          %get3A_291 = vector.shape_cast %get3A_290 : vector<1x16xf32> to vector<16xf32>
          %mul3A_292 = arith.constant 5.65685415 : f32
          %mul3A_293 = vector.broadcast %mul3A_292 : f32 to vector<16xf32>
          %mul3A_294 = arith.mulf %get3A_291, %mul3A_293 : vector<16xf32>
          %swap3A_295 = arith.index_cast %scan3A_287 : i32 to index
          %swap3A_296 = arith.constant 0 : index
          %swap3A_297 = tpu.vector_load %arg10[%swap3A_295, %swap3A_296] {strides = array<i32>} : memref<512x32xf32, #tpu.memory_space<vmem>>, vector<1x16xf32>,
          %swap3A_298 = vector.shape_cast %swap3A_297 : vector<1x16xf32> to vector<16xf32>
          %swap3A_299 = vector.shape_cast %mul3A_294 : vector<16xf32> to vector<1x16xf32>
          tpu.vector_store %arg10[%swap3A_295, %swap3A_296], %swap3A_299 {strides = array<i32>} : memref<512x32xf32, #tpu.memory_space<vmem>>, vector<1x16xf32>,
          %get3A_300 = arith.index_cast %scan3A_287 : i32 to index
          %get3A_301 = arith.constant 16 : index
          %get3A_302 = tpu.vector_load %arg10[%get3A_300, %get3A_301] {strides = array<i32>} : memref<512x32xf32, #tpu.memory_space<vmem>>, vector<1x16xf32>,
          %get3A_303 = vector.shape_cast %get3A_302 : vector<1x16xf32> to vector<16xf32>
          %mul3A_304 = arith.constant 5.65685415 : f32
          %mul3A_305 = vector.broadcast %mul3A_304 : f32 to vector<16xf32>
          %mul3A_306 = arith.mulf %get3A_303, %mul3A_305 : vector<16xf32>
          %swap3A_307 = arith.index_cast %scan3A_287 : i32 to index
          %swap3A_308 = arith.constant 16 : index
          %swap3A_309 = tpu.vector_load %arg10[%swap3A_307, %swap3A_308] {strides = array<i32>} : memref<512x32xf32, #tpu.memory_space<vmem>>, vector<1x16xf32>,
          %swap3A_310 = vector.shape_cast %swap3A_309 : vector<1x16xf32> to vector<16xf32>
          %swap3A_311 = vector.shape_cast %mul3A_306 : vector<16xf32> to vector<1x16xf32>
          tpu.vector_store %arg10[%swap3A_307, %swap3A_308], %swap3A_311 {strides = array<i32>} : memref<512x32xf32, #tpu.memory_space<vmem>>, vector<1x16xf32>,
          %scan3A_312 = arith.constant 6 : i32
          %scan3A_313 = arith.addi %scan3A_159, %scan3A_312 : i32
          %get3A_314 = arith.index_cast %scan3A_313 : i32 to index
          %get3A_315 = arith.constant 0 : index
          %get3A_316 = tpu.vector_load %arg10[%get3A_314, %get3A_315] {strides = array<i32>} : memref<512x32xf32, #tpu.memory_space<vmem>>, vector<1x16xf32>,
          %get3A_317 = vector.shape_cast %get3A_316 : vector<1x16xf32> to vector<16xf32>
          %mul3A_318 = arith.constant 5.65685415 : f32
          %mul3A_319 = vector.broadcast %mul3A_318 : f32 to vector<16xf32>
          %mul3A_320 = arith.mulf %get3A_317, %mul3A_319 : vector<16xf32>
          %swap3A_321 = arith.index_cast %scan3A_313 : i32 to index
          %swap3A_322 = arith.constant 0 : index
          %swap3A_323 = tpu.vector_load %arg10[%swap3A_321, %swap3A_322] {strides = array<i32>} : memref<512x32xf32, #tpu.memory_space<vmem>>, vector<1x16xf32>,
          %swap3A_324 = vector.shape_cast %swap3A_323 : vector<1x16xf32> to vector<16xf32>
          %swap3A_325 = vector.shape_cast %mul3A_320 : vector<16xf32> to vector<1x16xf32>
          tpu.vector_store %arg10[%swap3A_321, %swap3A_322], %swap3A_325 {strides = array<i32>} : memref<512x32xf32, #tpu.memory_space<vmem>>, vector<1x16xf32>,
          %get3A_326 = arith.index_cast %scan3A_313 : i32 to index
          %get3A_327 = arith.constant 16 : index
          %get3A_328 = tpu.vector_load %arg10[%get3A_326, %get3A_327] {strides = array<i32>} : memref<512x32xf32, #tpu.memory_space<vmem>>, vector<1x16xf32>,
          %get3A_329 = vector.shape_cast %get3A_328 : vector<1x16xf32> to vector<16xf32>
          %mul3A_330 = arith.constant 5.65685415 : f32
          %mul3A_331 = vector.broadcast %mul3A_330 : f32 to vector<16xf32>
          %mul3A_332 = arith.mulf %get3A_329, %mul3A_331 : vector<16xf32>
          %swap3A_333 = arith.index_cast %scan3A_313 : i32 to index
          %swap3A_334 = arith.constant 16 : index
          %swap3A_335 = tpu.vector_load %arg10[%swap3A_333, %swap3A_334] {strides = array<i32>} : memref<512x32xf32, #tpu.memory_space<vmem>>, vector<1x16xf32>,
          %swap3A_336 = vector.shape_cast %swap3A_335 : vector<1x16xf32> to vector<16xf32>
          %swap3A_337 = vector.shape_cast %mul3A_332 : vector<16xf32> to vector<1x16xf32>
          tpu.vector_store %arg10[%swap3A_333, %swap3A_334], %swap3A_337 {strides = array<i32>} : memref<512x32xf32, #tpu.memory_space<vmem>>, vector<1x16xf32>,
          %scan3A_338 = arith.constant 7 : i32
          %scan3A_339 = arith.addi %scan3A_159, %scan3A_338 : i32
          %get3A_340 = arith.index_cast %scan3A_339 : i32 to index
          %get3A_341 = arith.constant 0 : index
          %get3A_342 = tpu.vector_load %arg10[%get3A_340, %get3A_341] {strides = array<i32>} : memref<512x32xf32, #tpu.memory_space<vmem>>, vector<1x16xf32>,
          %get3A_343 = vector.shape_cast %get3A_342 : vector<1x16xf32> to vector<16xf32>
          %mul3A_344 = arith.constant 5.65685415 : f32
          %mul3A_345 = vector.broadcast %mul3A_344 : f32 to vector<16xf32>
          %mul3A_346 = arith.mulf %get3A_343, %mul3A_345 : vector<16xf32>
          %swap3A_347 = arith.index_cast %scan3A_339 : i32 to index
          %swap3A_348 = arith.constant 0 : index
          %swap3A_349 = tpu.vector_load %arg10[%swap3A_347, %swap3A_348] {strides = array<i32>} : memref<512x32xf32, #tpu.memory_space<vmem>>, vector<1x16xf32>,
          %swap3A_350 = vector.shape_cast %swap3A_349 : vector<1x16xf32> to vector<16xf32>
          %swap3A_351 = vector.shape_cast %mul3A_346 : vector<16xf32> to vector<1x16xf32>
          tpu.vector_store %arg10[%swap3A_347, %swap3A_348], %swap3A_351 {strides = array<i32>} : memref<512x32xf32, #tpu.memory_space<vmem>>, vector<1x16xf32>,
          %get3A_352 = arith.index_cast %scan3A_339 : i32 to index
          %get3A_353 = arith.constant 16 : index
          %get3A_354 = tpu.vector_load %arg10[%get3A_352, %get3A_353] {strides = array<i32>} : memref<512x32xf32, #tpu.memory_space<vmem>>, vector<1x16xf32>,
          %get3A_355 = vector.shape_cast %get3A_354 : vector<1x16xf32> to vector<16xf32>
          %mul3A_356 = arith.constant 5.65685415 : f32
          %mul3A_357 = vector.broadcast %mul3A_356 : f32 to vector<16xf32>
          %mul3A_358 = arith.mulf %get3A_355, %mul3A_357 : vector<16xf32>
          %swap3A_359 = arith.index_cast %scan3A_339 : i32 to index
          %swap3A_360 = arith.constant 16 : index
          %swap3A_361 = tpu.vector_load %arg10[%swap3A_359, %swap3A_360] {strides = array<i32>} : memref<512x32xf32, #tpu.memory_space<vmem>>, vector<1x16xf32>,
          %swap3A_362 = vector.shape_cast %swap3A_361 : vector<1x16xf32> to vector<16xf32>
          %swap3A_363 = vector.shape_cast %mul3A_358 : vector<16xf32> to vector<1x16xf32>
          tpu.vector_store %arg10[%swap3A_359, %swap3A_360], %swap3A_363 {strides = array<i32>} : memref<512x32xf32, #tpu.memory_space<vmem>>, vector<1x16xf32>,
        }
        %scan3A_151 = arith.constant 512 : i32
        %mul3A_152 = arith.constant 512 : i32
        %mul3A_153 = arith.muli %sub3A_89, %mul3A_152 : i32
        %add3A_154 = arith.addi %mul3A_2, %mul3A_153 : i32
        %dma_start3A_155 = arith.constant 0 : i32
        %dma_start3A_156 = tpu.memref_slice %arg4[%add3A_154, %dma_start3A_155] : memref<3276800x32xf32, #tpu.memory_space<hbm>> -> memref<512x32xf32, #tpu.memory_space<hbm>>
        %dma_start3A_157 = arith.constant 0 : i32
        %dma_start3A_158 = tpu.memref_slice %arg4[%add3A_154, %dma_start3A_157] : memref<3276800x32xf32, #tpu.memory_space<hbm>> -> memref<512x32xf32, #tpu.memory_space<hbm>>
        tpu.enqueue_dma source(%arg10 : memref<512x32xf32, #tpu.memory_space<vmem>>) target(%dma_start3A_158 : memref<512x32xf32, #tpu.memory_space<hbm>>) target_semaphore(%arg25 : memref<!tpu.dma_semaphore, #tpu.memory_space<semaphore_mem>>)
      } else {
      }
      %mul3A_98 = arith.constant 5 : i32
      %mul3A_99 = arith.muli %scan3A_46, %mul3A_98 : i32
      %add3A_100 = arith.constant 3 : i32
      %add3A_101 = arith.addi %mul3A_99, %add3A_100 : i32
      %lt3A_102 = arith.constant 200 : i32
      %lt3A_103 = arith.cmpi slt, %add3A_101, %lt3A_102 : i32
      %convert_element_type3A_104 = arith.extui %lt3A_103 : i1 to i32
      %cond3A_105 = arith.constant 0 : i32
      %cond3A_106 = arith.cmpi ne, %convert_element_type3A_104, %cond3A_105 : i32
      scf.if %cond3A_106 {
        %dma_wait3A_136 = tpu.memref_slice %arg2[%mul3A_2] : memref<3276800xi32, #tpu.memory_space<hbm>> -> memref<512xi32, #tpu.memory_space<hbm>>
        %dma_wait3A_137 = tpu.memref_slice %arg2[%mul3A_2] : memref<3276800xi32, #tpu.memory_space<hbm>> -> memref<512xi32, #tpu.memory_space<hbm>>
        tpu.wait_dma2 semaphore(%arg18 : memref<!tpu.dma_semaphore, #tpu.memory_space<semaphore_mem>>) src(%dma_wait3A_137 : memref<512xi32, #tpu.memory_space<hbm>>) dst(%arg8 : memref<512xi32, #tpu.memory_space<vmem>>)
        %ge3A_138 = arith.constant 5 : i32
        %ge3A_139 = arith.cmpi sge, %add3A_101, %ge3A_138 : i32
        %convert_element_type3A_140 = arith.extui %ge3A_139 : i1 to i32
        %cond3A_141 = arith.constant 0 : i32
        %cond3A_142 = arith.cmpi ne, %convert_element_type3A_140, %cond3A_141 : i32
        scf.if %cond3A_142 {
          %dma_wait3A_146 = arith.constant 0 : i32
          %dma_wait3A_147 = tpu.memref_slice %arg4[%mul3A_2, %dma_wait3A_146] : memref<3276800x32xf32, #tpu.memory_space<hbm>> -> memref<512x32xf32, #tpu.memory_space<hbm>>
          %dma_wait3A_148 = arith.constant 0 : i32
          %dma_wait3A_149 = tpu.memref_slice %arg4[%mul3A_2, %dma_wait3A_148] : memref<3276800x32xf32, #tpu.memory_space<hbm>> -> memref<512x32xf32, #tpu.memory_space<hbm>>
          tpu.wait_dma2 semaphore(%arg28 : memref<!tpu.dma_semaphore, #tpu.memory_space<semaphore_mem>>) src(%arg13 : memref<512x32xf32, #tpu.memory_space<vmem>>) dst(%dma_wait3A_149 : memref<512x32xf32, #tpu.memory_space<hbm>>)
        } else {
        }
        %dma_start3A_143 = arith.constant 0 : i32
        %dma_start3A_144 = arith.constant 0 : i32
        %dma_start3A_145 = tpu.memref_slice %arg3[%dma_start3A_143, %dma_start3A_144] : memref<1000000x32xf32, #tpu.memory_space<hbm>> -> memref<1000000x32xf32, #tpu.memory_space<hbm>>
        tpu.enqueue_indirect_dma source(%dma_start3A_145 : memref<1000000x32xf32, #tpu.memory_space<hbm>>) target(%arg13 : memref<512x32xf32, #tpu.memory_space<vmem>>) offsets(%arg8 : memref<512xi32, #tpu.memory_space<vmem>>) semaphore(%arg23 : memref<!tpu.dma_semaphore, #tpu.memory_space<semaphore_mem>>)
      } else {
      }
      %sub3A_107 = arith.constant 2 : i32
      %sub3A_108 = arith.subi %add3A_101, %sub3A_107 : i32
      %ge3A_109 = arith.constant 2 : i32
      %ge3A_110 = arith.cmpi sge, %add3A_101, %ge3A_109 : i32
      %lt3A_111 = arith.constant 200 : i32
      %lt3A_112 = arith.cmpi slt, %sub3A_108, %lt3A_111 : i32
      %and3A_113 = arith.andi %ge3A_110, %lt3A_112 : i1
      %convert_element_type3A_114 = arith.extui %and3A_113 : i1 to i32
      %cond3A_115 = arith.constant 0 : i32
      %cond3A_116 = arith.cmpi ne, %convert_element_type3A_114, %cond3A_115 : i32
      scf.if %cond3A_116 {
        %dma_wait3A_136 = arith.constant 0 : i32
        %dma_wait3A_137 = arith.constant 0 : i32
        %dma_wait3A_138 = tpu.memref_slice %arg3[%dma_wait3A_136, %dma_wait3A_137] : memref<1000000x32xf32, #tpu.memory_space<hbm>> -> memref<1000000x32xf32, #tpu.memory_space<hbm>>
        tpu.wait_indirect_dma semaphore(%arg21 : memref<!tpu.dma_semaphore, #tpu.memory_space<semaphore_mem>>) src(%dma_wait3A_138 : memref<1000000x32xf32, #tpu.memory_space<hbm>>) dst(%arg11 : memref<512x32xf32, #tpu.memory_space<vmem>>)
        %add3A_139 = arith.constant 5 : i32
        %add3A_140 = arith.addi %sub3A_108, %add3A_139 : i32
        %lt3A_141 = arith.constant 200 : i32
        %lt3A_142 = arith.cmpi slt, %add3A_140, %lt3A_141 : i32
        %convert_element_type3A_143 = arith.extui %lt3A_142 : i1 to i32
        %cond3A_144 = arith.constant 0 : i32
        %cond3A_145 = arith.cmpi ne, %convert_element_type3A_143, %cond3A_144 : i32
        scf.if %cond3A_145 {
          %add3A_159 = arith.constant 5 : i32
          %add3A_160 = arith.addi %sub3A_108, %add3A_159 : i32
          %mul3A_161 = arith.constant 512 : i32
          %mul3A_162 = arith.muli %add3A_160, %mul3A_161 : i32
          %add3A_163 = arith.addi %mul3A_2, %mul3A_162 : i32
          %dma_start3A_164 = tpu.memref_slice %arg2[%add3A_163] : memref<3276800xi32, #tpu.memory_space<hbm>> -> memref<512xi32, #tpu.memory_space<hbm>>
          %dma_start3A_165 = tpu.memref_slice %arg2[%add3A_163] : memref<3276800xi32, #tpu.memory_space<hbm>> -> memref<512xi32, #tpu.memory_space<hbm>>
          tpu.enqueue_dma source(%dma_start3A_165 : memref<512xi32, #tpu.memory_space<hbm>>) target(%arg6 : memref<512xi32, #tpu.memory_space<vmem>>) target_semaphore(%arg16 : memref<!tpu.dma_semaphore, #tpu.memory_space<semaphore_mem>>)
        } else {
        }
        %scan3A_146 = arith.constant 0 : i32
        %scan3A_147 = arith.constant 0 : i32
        %scan3A_148 = arith.constant 512 : i32
        %scan3A_149 = arith.addi %scan3A_147, %scan3A_148 : i32
        %scan3A_150 = arith.constant 8 : i32
        scf.for %scan3A_159 = %scan3A_147 to %scan3A_149 step %scan3A_150  : i32 {
          %get3A = arith.index_cast %scan3A_159 : i32 to index
          %get3A_160 = arith.constant 0 : index
          %get3A_161 = tpu.vector_load %arg11[%get3A, %get3A_160] {strides = array<i32>} : memref<512x32xf32, #tpu.memory_space<vmem>>, vector<1x16xf32>,
          %get3A_162 = vector.shape_cast %get3A_161 : vector<1x16xf32> to vector<16xf32>
          %mul3A_163 = arith.constant 5.65685415 : f32
          %mul3A_164 = vector.broadcast %mul3A_163 : f32 to vector<16xf32>
          %mul3A_165 = arith.mulf %get3A_162, %mul3A_164 : vector<16xf32>
          %swap3A = arith.index_cast %scan3A_159 : i32 to index
          %swap3A_166 = arith.constant 0 : index
          %swap3A_167 = tpu.vector_load %arg11[%swap3A, %swap3A_166] {strides = array<i32>} : memref<512x32xf32, #tpu.memory_space<vmem>>, vector<1x16xf32>,
          %swap3A_168 = vector.shape_cast %swap3A_167 : vector<1x16xf32> to vector<16xf32>
          %swap3A_169 = vector.shape_cast %mul3A_165 : vector<16xf32> to vector<1x16xf32>
          tpu.vector_store %arg11[%swap3A, %swap3A_166], %swap3A_169 {strides = array<i32>} : memref<512x32xf32, #tpu.memory_space<vmem>>, vector<1x16xf32>,
          %get3A_170 = arith.index_cast %scan3A_159 : i32 to index
          %get3A_171 = arith.constant 16 : index
          %get3A_172 = tpu.vector_load %arg11[%get3A_170, %get3A_171] {strides = array<i32>} : memref<512x32xf32, #tpu.memory_space<vmem>>, vector<1x16xf32>,
          %get3A_173 = vector.shape_cast %get3A_172 : vector<1x16xf32> to vector<16xf32>
          %mul3A_174 = arith.constant 5.65685415 : f32
          %mul3A_175 = vector.broadcast %mul3A_174 : f32 to vector<16xf32>
          %mul3A_176 = arith.mulf %get3A_173, %mul3A_175 : vector<16xf32>
          %swap3A_177 = arith.index_cast %scan3A_159 : i32 to index
          %swap3A_178 = arith.constant 16 : index
          %swap3A_179 = tpu.vector_load %arg11[%swap3A_177, %swap3A_178] {strides = array<i32>} : memref<512x32xf32, #tpu.memory_space<vmem>>, vector<1x16xf32>,
          %swap3A_180 = vector.shape_cast %swap3A_179 : vector<1x16xf32> to vector<16xf32>
          %swap3A_181 = vector.shape_cast %mul3A_176 : vector<16xf32> to vector<1x16xf32>
          tpu.vector_store %arg11[%swap3A_177, %swap3A_178], %swap3A_181 {strides = array<i32>} : memref<512x32xf32, #tpu.memory_space<vmem>>, vector<1x16xf32>,
          %scan3A_182 = arith.constant 1 : i32
          %scan3A_183 = arith.addi %scan3A_159, %scan3A_182 : i32
          %get3A_184 = arith.index_cast %scan3A_183 : i32 to index
          %get3A_185 = arith.constant 0 : index
          %get3A_186 = tpu.vector_load %arg11[%get3A_184, %get3A_185] {strides = array<i32>} : memref<512x32xf32, #tpu.memory_space<vmem>>, vector<1x16xf32>,
          %get3A_187 = vector.shape_cast %get3A_186 : vector<1x16xf32> to vector<16xf32>
          %mul3A_188 = arith.constant 5.65685415 : f32
          %mul3A_189 = vector.broadcast %mul3A_188 : f32 to vector<16xf32>
          %mul3A_190 = arith.mulf %get3A_187, %mul3A_189 : vector<16xf32>
          %swap3A_191 = arith.index_cast %scan3A_183 : i32 to index
          %swap3A_192 = arith.constant 0 : index
          %swap3A_193 = tpu.vector_load %arg11[%swap3A_191, %swap3A_192] {strides = array<i32>} : memref<512x32xf32, #tpu.memory_space<vmem>>, vector<1x16xf32>,
          %swap3A_194 = vector.shape_cast %swap3A_193 : vector<1x16xf32> to vector<16xf32>
          %swap3A_195 = vector.shape_cast %mul3A_190 : vector<16xf32> to vector<1x16xf32>
          tpu.vector_store %arg11[%swap3A_191, %swap3A_192], %swap3A_195 {strides = array<i32>} : memref<512x32xf32, #tpu.memory_space<vmem>>, vector<1x16xf32>,
          %get3A_196 = arith.index_cast %scan3A_183 : i32 to index
          %get3A_197 = arith.constant 16 : index
          %get3A_198 = tpu.vector_load %arg11[%get3A_196, %get3A_197] {strides = array<i32>} : memref<512x32xf32, #tpu.memory_space<vmem>>, vector<1x16xf32>,
          %get3A_199 = vector.shape_cast %get3A_198 : vector<1x16xf32> to vector<16xf32>
          %mul3A_200 = arith.constant 5.65685415 : f32
          %mul3A_201 = vector.broadcast %mul3A_200 : f32 to vector<16xf32>
          %mul3A_202 = arith.mulf %get3A_199, %mul3A_201 : vector<16xf32>
          %swap3A_203 = arith.index_cast %scan3A_183 : i32 to index
          %swap3A_204 = arith.constant 16 : index
          %swap3A_205 = tpu.vector_load %arg11[%swap3A_203, %swap3A_204] {strides = array<i32>} : memref<512x32xf32, #tpu.memory_space<vmem>>, vector<1x16xf32>,
          %swap3A_206 = vector.shape_cast %swap3A_205 : vector<1x16xf32> to vector<16xf32>
          %swap3A_207 = vector.shape_cast %mul3A_202 : vector<16xf32> to vector<1x16xf32>
          tpu.vector_store %arg11[%swap3A_203, %swap3A_204], %swap3A_207 {strides = array<i32>} : memref<512x32xf32, #tpu.memory_space<vmem>>, vector<1x16xf32>,
          %scan3A_208 = arith.constant 2 : i32
          %scan3A_209 = arith.addi %scan3A_159, %scan3A_208 : i32
          %get3A_210 = arith.index_cast %scan3A_209 : i32 to index
          %get3A_211 = arith.constant 0 : index
          %get3A_212 = tpu.vector_load %arg11[%get3A_210, %get3A_211] {strides = array<i32>} : memref<512x32xf32, #tpu.memory_space<vmem>>, vector<1x16xf32>,
          %get3A_213 = vector.shape_cast %get3A_212 : vector<1x16xf32> to vector<16xf32>
          %mul3A_214 = arith.constant 5.65685415 : f32
          %mul3A_215 = vector.broadcast %mul3A_214 : f32 to vector<16xf32>
          %mul3A_216 = arith.mulf %get3A_213, %mul3A_215 : vector<16xf32>
          %swap3A_217 = arith.index_cast %scan3A_209 : i32 to index
          %swap3A_218 = arith.constant 0 : index
          %swap3A_219 = tpu.vector_load %arg11[%swap3A_217, %swap3A_218] {strides = array<i32>} : memref<512x32xf32, #tpu.memory_space<vmem>>, vector<1x16xf32>,
          %swap3A_220 = vector.shape_cast %swap3A_219 : vector<1x16xf32> to vector<16xf32>
          %swap3A_221 = vector.shape_cast %mul3A_216 : vector<16xf32> to vector<1x16xf32>
          tpu.vector_store %arg11[%swap3A_217, %swap3A_218], %swap3A_221 {strides = array<i32>} : memref<512x32xf32, #tpu.memory_space<vmem>>, vector<1x16xf32>,
          %get3A_222 = arith.index_cast %scan3A_209 : i32 to index
          %get3A_223 = arith.constant 16 : index
          %get3A_224 = tpu.vector_load %arg11[%get3A_222, %get3A_223] {strides = array<i32>} : memref<512x32xf32, #tpu.memory_space<vmem>>, vector<1x16xf32>,
          %get3A_225 = vector.shape_cast %get3A_224 : vector<1x16xf32> to vector<16xf32>
          %mul3A_226 = arith.constant 5.65685415 : f32
          %mul3A_227 = vector.broadcast %mul3A_226 : f32 to vector<16xf32>
          %mul3A_228 = arith.mulf %get3A_225, %mul3A_227 : vector<16xf32>
          %swap3A_229 = arith.index_cast %scan3A_209 : i32 to index
          %swap3A_230 = arith.constant 16 : index
          %swap3A_231 = tpu.vector_load %arg11[%swap3A_229, %swap3A_230] {strides = array<i32>} : memref<512x32xf32, #tpu.memory_space<vmem>>, vector<1x16xf32>,
          %swap3A_232 = vector.shape_cast %swap3A_231 : vector<1x16xf32> to vector<16xf32>
          %swap3A_233 = vector.shape_cast %mul3A_228 : vector<16xf32> to vector<1x16xf32>
          tpu.vector_store %arg11[%swap3A_229, %swap3A_230], %swap3A_233 {strides = array<i32>} : memref<512x32xf32, #tpu.memory_space<vmem>>, vector<1x16xf32>,
          %scan3A_234 = arith.constant 3 : i32
          %scan3A_235 = arith.addi %scan3A_159, %scan3A_234 : i32
          %get3A_236 = arith.index_cast %scan3A_235 : i32 to index
          %get3A_237 = arith.constant 0 : index
          %get3A_238 = tpu.vector_load %arg11[%get3A_236, %get3A_237] {strides = array<i32>} : memref<512x32xf32, #tpu.memory_space<vmem>>, vector<1x16xf32>,
          %get3A_239 = vector.shape_cast %get3A_238 : vector<1x16xf32> to vector<16xf32>
          %mul3A_240 = arith.constant 5.65685415 : f32
          %mul3A_241 = vector.broadcast %mul3A_240 : f32 to vector<16xf32>
          %mul3A_242 = arith.mulf %get3A_239, %mul3A_241 : vector<16xf32>
          %swap3A_243 = arith.index_cast %scan3A_235 : i32 to index
          %swap3A_244 = arith.constant 0 : index
          %swap3A_245 = tpu.vector_load %arg11[%swap3A_243, %swap3A_244] {strides = array<i32>} : memref<512x32xf32, #tpu.memory_space<vmem>>, vector<1x16xf32>,
          %swap3A_246 = vector.shape_cast %swap3A_245 : vector<1x16xf32> to vector<16xf32>
          %swap3A_247 = vector.shape_cast %mul3A_242 : vector<16xf32> to vector<1x16xf32>
          tpu.vector_store %arg11[%swap3A_243, %swap3A_244], %swap3A_247 {strides = array<i32>} : memref<512x32xf32, #tpu.memory_space<vmem>>, vector<1x16xf32>,
          %get3A_248 = arith.index_cast %scan3A_235 : i32 to index
          %get3A_249 = arith.constant 16 : index
          %get3A_250 = tpu.vector_load %arg11[%get3A_248, %get3A_249] {strides = array<i32>} : memref<512x32xf32, #tpu.memory_space<vmem>>, vector<1x16xf32>,
          %get3A_251 = vector.shape_cast %get3A_250 : vector<1x16xf32> to vector<16xf32>
          %mul3A_252 = arith.constant 5.65685415 : f32
          %mul3A_253 = vector.broadcast %mul3A_252 : f32 to vector<16xf32>
          %mul3A_254 = arith.mulf %get3A_251, %mul3A_253 : vector<16xf32>
          %swap3A_255 = arith.index_cast %scan3A_235 : i32 to index
          %swap3A_256 = arith.constant 16 : index
          %swap3A_257 = tpu.vector_load %arg11[%swap3A_255, %swap3A_256] {strides = array<i32>} : memref<512x32xf32, #tpu.memory_space<vmem>>, vector<1x16xf32>,
          %swap3A_258 = vector.shape_cast %swap3A_257 : vector<1x16xf32> to vector<16xf32>
          %swap3A_259 = vector.shape_cast %mul3A_254 : vector<16xf32> to vector<1x16xf32>
          tpu.vector_store %arg11[%swap3A_255, %swap3A_256], %swap3A_259 {strides = array<i32>} : memref<512x32xf32, #tpu.memory_space<vmem>>, vector<1x16xf32>,
          %scan3A_260 = arith.constant 4 : i32
          %scan3A_261 = arith.addi %scan3A_159, %scan3A_260 : i32
          %get3A_262 = arith.index_cast %scan3A_261 : i32 to index
          %get3A_263 = arith.constant 0 : index
          %get3A_264 = tpu.vector_load %arg11[%get3A_262, %get3A_263] {strides = array<i32>} : memref<512x32xf32, #tpu.memory_space<vmem>>, vector<1x16xf32>,
          %get3A_265 = vector.shape_cast %get3A_264 : vector<1x16xf32> to vector<16xf32>
          %mul3A_266 = arith.constant 5.65685415 : f32
          %mul3A_267 = vector.broadcast %mul3A_266 : f32 to vector<16xf32>
          %mul3A_268 = arith.mulf %get3A_265, %mul3A_267 : vector<16xf32>
          %swap3A_269 = arith.index_cast %scan3A_261 : i32 to index
          %swap3A_270 = arith.constant 0 : index
          %swap3A_271 = tpu.vector_load %arg11[%swap3A_269, %swap3A_270] {strides = array<i32>} : memref<512x32xf32, #tpu.memory_space<vmem>>, vector<1x16xf32>,
          %swap3A_272 = vector.shape_cast %swap3A_271 : vector<1x16xf32> to vector<16xf32>
          %swap3A_273 = vector.shape_cast %mul3A_268 : vector<16xf32> to vector<1x16xf32>
          tpu.vector_store %arg11[%swap3A_269, %swap3A_270], %swap3A_273 {strides = array<i32>} : memref<512x32xf32, #tpu.memory_space<vmem>>, vector<1x16xf32>,
          %get3A_274 = arith.index_cast %scan3A_261 : i32 to index
          %get3A_275 = arith.constant 16 : index
          %get3A_276 = tpu.vector_load %arg11[%get3A_274, %get3A_275] {strides = array<i32>} : memref<512x32xf32, #tpu.memory_space<vmem>>, vector<1x16xf32>,
          %get3A_277 = vector.shape_cast %get3A_276 : vector<1x16xf32> to vector<16xf32>
          %mul3A_278 = arith.constant 5.65685415 : f32
          %mul3A_279 = vector.broadcast %mul3A_278 : f32 to vector<16xf32>
          %mul3A_280 = arith.mulf %get3A_277, %mul3A_279 : vector<16xf32>
          %swap3A_281 = arith.index_cast %scan3A_261 : i32 to index
          %swap3A_282 = arith.constant 16 : index
          %swap3A_283 = tpu.vector_load %arg11[%swap3A_281, %swap3A_282] {strides = array<i32>} : memref<512x32xf32, #tpu.memory_space<vmem>>, vector<1x16xf32>,
          %swap3A_284 = vector.shape_cast %swap3A_283 : vector<1x16xf32> to vector<16xf32>
          %swap3A_285 = vector.shape_cast %mul3A_280 : vector<16xf32> to vector<1x16xf32>
          tpu.vector_store %arg11[%swap3A_281, %swap3A_282], %swap3A_285 {strides = array<i32>} : memref<512x32xf32, #tpu.memory_space<vmem>>, vector<1x16xf32>,
          %scan3A_286 = arith.constant 5 : i32
          %scan3A_287 = arith.addi %scan3A_159, %scan3A_286 : i32
          %get3A_288 = arith.index_cast %scan3A_287 : i32 to index
          %get3A_289 = arith.constant 0 : index
          %get3A_290 = tpu.vector_load %arg11[%get3A_288, %get3A_289] {strides = array<i32>} : memref<512x32xf32, #tpu.memory_space<vmem>>, vector<1x16xf32>,
          %get3A_291 = vector.shape_cast %get3A_290 : vector<1x16xf32> to vector<16xf32>
          %mul3A_292 = arith.constant 5.65685415 : f32
          %mul3A_293 = vector.broadcast %mul3A_292 : f32 to vector<16xf32>
          %mul3A_294 = arith.mulf %get3A_291, %mul3A_293 : vector<16xf32>
          %swap3A_295 = arith.index_cast %scan3A_287 : i32 to index
          %swap3A_296 = arith.constant 0 : index
          %swap3A_297 = tpu.vector_load %arg11[%swap3A_295, %swap3A_296] {strides = array<i32>} : memref<512x32xf32, #tpu.memory_space<vmem>>, vector<1x16xf32>,
          %swap3A_298 = vector.shape_cast %swap3A_297 : vector<1x16xf32> to vector<16xf32>
          %swap3A_299 = vector.shape_cast %mul3A_294 : vector<16xf32> to vector<1x16xf32>
          tpu.vector_store %arg11[%swap3A_295, %swap3A_296], %swap3A_299 {strides = array<i32>} : memref<512x32xf32, #tpu.memory_space<vmem>>, vector<1x16xf32>,
          %get3A_300 = arith.index_cast %scan3A_287 : i32 to index
          %get3A_301 = arith.constant 16 : index
          %get3A_302 = tpu.vector_load %arg11[%get3A_300, %get3A_301] {strides = array<i32>} : memref<512x32xf32, #tpu.memory_space<vmem>>, vector<1x16xf32>,
          %get3A_303 = vector.shape_cast %get3A_302 : vector<1x16xf32> to vector<16xf32>
          %mul3A_304 = arith.constant 5.65685415 : f32
          %mul3A_305 = vector.broadcast %mul3A_304 : f32 to vector<16xf32>
          %mul3A_306 = arith.mulf %get3A_303, %mul3A_305 : vector<16xf32>
          %swap3A_307 = arith.index_cast %scan3A_287 : i32 to index
          %swap3A_308 = arith.constant 16 : index
          %swap3A_309 = tpu.vector_load %arg11[%swap3A_307, %swap3A_308] {strides = array<i32>} : memref<512x32xf32, #tpu.memory_space<vmem>>, vector<1x16xf32>,
          %swap3A_310 = vector.shape_cast %swap3A_309 : vector<1x16xf32> to vector<16xf32>
          %swap3A_311 = vector.shape_cast %mul3A_306 : vector<16xf32> to vector<1x16xf32>
          tpu.vector_store %arg11[%swap3A_307, %swap3A_308], %swap3A_311 {strides = array<i32>} : memref<512x32xf32, #tpu.memory_space<vmem>>, vector<1x16xf32>,
          %scan3A_312 = arith.constant 6 : i32
          %scan3A_313 = arith.addi %scan3A_159, %scan3A_312 : i32
          %get3A_314 = arith.index_cast %scan3A_313 : i32 to index
          %get3A_315 = arith.constant 0 : index
          %get3A_316 = tpu.vector_load %arg11[%get3A_314, %get3A_315] {strides = array<i32>} : memref<512x32xf32, #tpu.memory_space<vmem>>, vector<1x16xf32>,
          %get3A_317 = vector.shape_cast %get3A_316 : vector<1x16xf32> to vector<16xf32>
          %mul3A_318 = arith.constant 5.65685415 : f32
          %mul3A_319 = vector.broadcast %mul3A_318 : f32 to vector<16xf32>
          %mul3A_320 = arith.mulf %get3A_317, %mul3A_319 : vector<16xf32>
          %swap3A_321 = arith.index_cast %scan3A_313 : i32 to index
          %swap3A_322 = arith.constant 0 : index
          %swap3A_323 = tpu.vector_load %arg11[%swap3A_321, %swap3A_322] {strides = array<i32>} : memref<512x32xf32, #tpu.memory_space<vmem>>, vector<1x16xf32>,
          %swap3A_324 = vector.shape_cast %swap3A_323 : vector<1x16xf32> to vector<16xf32>
          %swap3A_325 = vector.shape_cast %mul3A_320 : vector<16xf32> to vector<1x16xf32>
          tpu.vector_store %arg11[%swap3A_321, %swap3A_322], %swap3A_325 {strides = array<i32>} : memref<512x32xf32, #tpu.memory_space<vmem>>, vector<1x16xf32>,
          %get3A_326 = arith.index_cast %scan3A_313 : i32 to index
          %get3A_327 = arith.constant 16 : index
          %get3A_328 = tpu.vector_load %arg11[%get3A_326, %get3A_327] {strides = array<i32>} : memref<512x32xf32, #tpu.memory_space<vmem>>, vector<1x16xf32>,
          %get3A_329 = vector.shape_cast %get3A_328 : vector<1x16xf32> to vector<16xf32>
          %mul3A_330 = arith.constant 5.65685415 : f32
          %mul3A_331 = vector.broadcast %mul3A_330 : f32 to vector<16xf32>
          %mul3A_332 = arith.mulf %get3A_329, %mul3A_331 : vector<16xf32>
          %swap3A_333 = arith.index_cast %scan3A_313 : i32 to index
          %swap3A_334 = arith.constant 16 : index
          %swap3A_335 = tpu.vector_load %arg11[%swap3A_333, %swap3A_334] {strides = array<i32>} : memref<512x32xf32, #tpu.memory_space<vmem>>, vector<1x16xf32>,
          %swap3A_336 = vector.shape_cast %swap3A_335 : vector<1x16xf32> to vector<16xf32>
          %swap3A_337 = vector.shape_cast %mul3A_332 : vector<16xf32> to vector<1x16xf32>
          tpu.vector_store %arg11[%swap3A_333, %swap3A_334], %swap3A_337 {strides = array<i32>} : memref<512x32xf32, #tpu.memory_space<vmem>>, vector<1x16xf32>,
          %scan3A_338 = arith.constant 7 : i32
          %scan3A_339 = arith.addi %scan3A_159, %scan3A_338 : i32
          %get3A_340 = arith.index_cast %scan3A_339 : i32 to index
          %get3A_341 = arith.constant 0 : index
          %get3A_342 = tpu.vector_load %arg11[%get3A_340, %get3A_341] {strides = array<i32>} : memref<512x32xf32, #tpu.memory_space<vmem>>, vector<1x16xf32>,
          %get3A_343 = vector.shape_cast %get3A_342 : vector<1x16xf32> to vector<16xf32>
          %mul3A_344 = arith.constant 5.65685415 : f32
          %mul3A_345 = vector.broadcast %mul3A_344 : f32 to vector<16xf32>
          %mul3A_346 = arith.mulf %get3A_343, %mul3A_345 : vector<16xf32>
          %swap3A_347 = arith.index_cast %scan3A_339 : i32 to index
          %swap3A_348 = arith.constant 0 : index
          %swap3A_349 = tpu.vector_load %arg11[%swap3A_347, %swap3A_348] {strides = array<i32>} : memref<512x32xf32, #tpu.memory_space<vmem>>, vector<1x16xf32>,
          %swap3A_350 = vector.shape_cast %swap3A_349 : vector<1x16xf32> to vector<16xf32>
          %swap3A_351 = vector.shape_cast %mul3A_346 : vector<16xf32> to vector<1x16xf32>
          tpu.vector_store %arg11[%swap3A_347, %swap3A_348], %swap3A_351 {strides = array<i32>} : memref<512x32xf32, #tpu.memory_space<vmem>>, vector<1x16xf32>,
          %get3A_352 = arith.index_cast %scan3A_339 : i32 to index
          %get3A_353 = arith.constant 16 : index
          %get3A_354 = tpu.vector_load %arg11[%get3A_352, %get3A_353] {strides = array<i32>} : memref<512x32xf32, #tpu.memory_space<vmem>>, vector<1x16xf32>,
          %get3A_355 = vector.shape_cast %get3A_354 : vector<1x16xf32> to vector<16xf32>
          %mul3A_356 = arith.constant 5.65685415 : f32
          %mul3A_357 = vector.broadcast %mul3A_356 : f32 to vector<16xf32>
          %mul3A_358 = arith.mulf %get3A_355, %mul3A_357 : vector<16xf32>
          %swap3A_359 = arith.index_cast %scan3A_339 : i32 to index
          %swap3A_360 = arith.constant 16 : index
          %swap3A_361 = tpu.vector_load %arg11[%swap3A_359, %swap3A_360] {strides = array<i32>} : memref<512x32xf32, #tpu.memory_space<vmem>>, vector<1x16xf32>,
          %swap3A_362 = vector.shape_cast %swap3A_361 : vector<1x16xf32> to vector<16xf32>
          %swap3A_363 = vector.shape_cast %mul3A_358 : vector<16xf32> to vector<1x16xf32>
          tpu.vector_store %arg11[%swap3A_359, %swap3A_360], %swap3A_363 {strides = array<i32>} : memref<512x32xf32, #tpu.memory_space<vmem>>, vector<1x16xf32>,
        }
        %scan3A_151 = arith.constant 512 : i32
        %mul3A_152 = arith.constant 512 : i32
        %mul3A_153 = arith.muli %sub3A_108, %mul3A_152 : i32
        %add3A_154 = arith.addi %mul3A_2, %mul3A_153 : i32
        %dma_start3A_155 = arith.constant 0 : i32
        %dma_start3A_156 = tpu.memref_slice %arg4[%add3A_154, %dma_start3A_155] : memref<3276800x32xf32, #tpu.memory_space<hbm>> -> memref<512x32xf32, #tpu.memory_space<hbm>>
        %dma_start3A_157 = arith.constant 0 : i32
        %dma_start3A_158 = tpu.memref_slice %arg4[%add3A_154, %dma_start3A_157] : memref<3276800x32xf32, #tpu.memory_space<hbm>> -> memref<512x32xf32, #tpu.memory_space<hbm>>
        tpu.enqueue_dma source(%arg11 : memref<512x32xf32, #tpu.memory_space<vmem>>) target(%dma_start3A_158 : memref<512x32xf32, #tpu.memory_space<hbm>>) target_semaphore(%arg26 : memref<!tpu.dma_semaphore, #tpu.memory_space<semaphore_mem>>)
      } else {
      }
      %mul3A_117 = arith.constant 5 : i32
      %mul3A_118 = arith.muli %scan3A_46, %mul3A_117 : i32
      %add3A_119 = arith.constant 4 : i32
      %add3A_120 = arith.addi %mul3A_118, %add3A_119 : i32
      %lt3A_121 = arith.constant 200 : i32
      %lt3A_122 = arith.cmpi slt, %add3A_120, %lt3A_121 : i32
      %convert_element_type3A_123 = arith.extui %lt3A_122 : i1 to i32
      %cond3A_124 = arith.constant 0 : i32
      %cond3A_125 = arith.cmpi ne, %convert_element_type3A_123, %cond3A_124 : i32
      scf.if %cond3A_125 {
        %dma_wait3A_136 = tpu.memref_slice %arg2[%mul3A_2] : memref<3276800xi32, #tpu.memory_space<hbm>> -> memref<512xi32, #tpu.memory_space<hbm>>
        %dma_wait3A_137 = tpu.memref_slice %arg2[%mul3A_2] : memref<3276800xi32, #tpu.memory_space<hbm>> -> memref<512xi32, #tpu.memory_space<hbm>>
        tpu.wait_dma2 semaphore(%arg19 : memref<!tpu.dma_semaphore, #tpu.memory_space<semaphore_mem>>) src(%dma_wait3A_137 : memref<512xi32, #tpu.memory_space<hbm>>) dst(%arg9 : memref<512xi32, #tpu.memory_space<vmem>>)
        %ge3A_138 = arith.constant 5 : i32
        %ge3A_139 = arith.cmpi sge, %add3A_120, %ge3A_138 : i32
        %convert_element_type3A_140 = arith.extui %ge3A_139 : i1 to i32
        %cond3A_141 = arith.constant 0 : i32
        %cond3A_142 = arith.cmpi ne, %convert_element_type3A_140, %cond3A_141 : i32
        scf.if %cond3A_142 {
          %dma_wait3A_146 = arith.constant 0 : i32
          %dma_wait3A_147 = tpu.memref_slice %arg4[%mul3A_2, %dma_wait3A_146] : memref<3276800x32xf32, #tpu.memory_space<hbm>> -> memref<512x32xf32, #tpu.memory_space<hbm>>
          %dma_wait3A_148 = arith.constant 0 : i32
          %dma_wait3A_149 = tpu.memref_slice %arg4[%mul3A_2, %dma_wait3A_148] : memref<3276800x32xf32, #tpu.memory_space<hbm>> -> memref<512x32xf32, #tpu.memory_space<hbm>>
          tpu.wait_dma2 semaphore(%arg29 : memref<!tpu.dma_semaphore, #tpu.memory_space<semaphore_mem>>) src(%arg14 : memref<512x32xf32, #tpu.memory_space<vmem>>) dst(%dma_wait3A_149 : memref<512x32xf32, #tpu.memory_space<hbm>>)
        } else {
        }
        %dma_start3A_143 = arith.constant 0 : i32
        %dma_start3A_144 = arith.constant 0 : i32
        %dma_start3A_145 = tpu.memref_slice %arg3[%dma_start3A_143, %dma_start3A_144] : memref<1000000x32xf32, #tpu.memory_space<hbm>> -> memref<1000000x32xf32, #tpu.memory_space<hbm>>
        tpu.enqueue_indirect_dma source(%dma_start3A_145 : memref<1000000x32xf32, #tpu.memory_space<hbm>>) target(%arg14 : memref<512x32xf32, #tpu.memory_space<vmem>>) offsets(%arg9 : memref<512xi32, #tpu.memory_space<vmem>>) semaphore(%arg24 : memref<!tpu.dma_semaphore, #tpu.memory_space<semaphore_mem>>)
      } else {
      }
      %sub3A_126 = arith.constant 2 : i32
      %sub3A_127 = arith.subi %add3A_120, %sub3A_126 : i32
      %ge3A_128 = arith.constant 2 : i32
      %ge3A_129 = arith.cmpi sge, %add3A_120, %ge3A_128 : i32
      %lt3A_130 = arith.constant 200 : i32
      %lt3A_131 = arith.cmpi slt, %sub3A_127, %lt3A_130 : i32
      %and3A_132 = arith.andi %ge3A_129, %lt3A_131 : i1
      %convert_element_type3A_133 = arith.extui %and3A_132 : i1 to i32
      %cond3A_134 = arith.constant 0 : i32
      %cond3A_135 = arith.cmpi ne, %convert_element_type3A_133, %cond3A_134 : i32
      scf.if %cond3A_135 {
        %dma_wait3A_136 = arith.constant 0 : i32
        %dma_wait3A_137 = arith.constant 0 : i32
        %dma_wait3A_138 = tpu.memref_slice %arg3[%dma_wait3A_136, %dma_wait3A_137] : memref<1000000x32xf32, #tpu.memory_space<hbm>> -> memref<1000000x32xf32, #tpu.memory_space<hbm>>
        tpu.wait_indirect_dma semaphore(%arg22 : memref<!tpu.dma_semaphore, #tpu.memory_space<semaphore_mem>>) src(%dma_wait3A_138 : memref<1000000x32xf32, #tpu.memory_space<hbm>>) dst(%arg12 : memref<512x32xf32, #tpu.memory_space<vmem>>)
        %add3A_139 = arith.constant 5 : i32
        %add3A_140 = arith.addi %sub3A_127, %add3A_139 : i32
        %lt3A_141 = arith.constant 200 : i32
        %lt3A_142 = arith.cmpi slt, %add3A_140, %lt3A_141 : i32
        %convert_element_type3A_143 = arith.extui %lt3A_142 : i1 to i32
        %cond3A_144 = arith.constant 0 : i32
        %cond3A_145 = arith.cmpi ne, %convert_element_type3A_143, %cond3A_144 : i32
        scf.if %cond3A_145 {
          %add3A_159 = arith.constant 5 : i32
          %add3A_160 = arith.addi %sub3A_127, %add3A_159 : i32
          %mul3A_161 = arith.constant 512 : i32
          %mul3A_162 = arith.muli %add3A_160, %mul3A_161 : i32
          %add3A_163 = arith.addi %mul3A_2, %mul3A_162 : i32
          %dma_start3A_164 = tpu.memref_slice %arg2[%add3A_163] : memref<3276800xi32, #tpu.memory_space<hbm>> -> memref<512xi32, #tpu.memory_space<hbm>>
          %dma_start3A_165 = tpu.memref_slice %arg2[%add3A_163] : memref<3276800xi32, #tpu.memory_space<hbm>> -> memref<512xi32, #tpu.memory_space<hbm>>
          tpu.enqueue_dma source(%dma_start3A_165 : memref<512xi32, #tpu.memory_space<hbm>>) target(%arg7 : memref<512xi32, #tpu.memory_space<vmem>>) target_semaphore(%arg17 : memref<!tpu.dma_semaphore, #tpu.memory_space<semaphore_mem>>)
        } else {
        }
        %scan3A_146 = arith.constant 0 : i32
        %scan3A_147 = arith.constant 0 : i32
        %scan3A_148 = arith.constant 512 : i32
        %scan3A_149 = arith.addi %scan3A_147, %scan3A_148 : i32
        %scan3A_150 = arith.constant 8 : i32
        scf.for %scan3A_159 = %scan3A_147 to %scan3A_149 step %scan3A_150  : i32 {
          %get3A = arith.index_cast %scan3A_159 : i32 to index
          %get3A_160 = arith.constant 0 : index
          %get3A_161 = tpu.vector_load %arg12[%get3A, %get3A_160] {strides = array<i32>} : memref<512x32xf32, #tpu.memory_space<vmem>>, vector<1x16xf32>,
          %get3A_162 = vector.shape_cast %get3A_161 : vector<1x16xf32> to vector<16xf32>
          %mul3A_163 = arith.constant 5.65685415 : f32
          %mul3A_164 = vector.broadcast %mul3A_163 : f32 to vector<16xf32>
          %mul3A_165 = arith.mulf %get3A_162, %mul3A_164 : vector<16xf32>
          %swap3A = arith.index_cast %scan3A_159 : i32 to index
          %swap3A_166 = arith.constant 0 : index
          %swap3A_167 = tpu.vector_load %arg12[%swap3A, %swap3A_166] {strides = array<i32>} : memref<512x32xf32, #tpu.memory_space<vmem>>, vector<1x16xf32>,
          %swap3A_168 = vector.shape_cast %swap3A_167 : vector<1x16xf32> to vector<16xf32>
          %swap3A_169 = vector.shape_cast %mul3A_165 : vector<16xf32> to vector<1x16xf32>
          tpu.vector_store %arg12[%swap3A, %swap3A_166], %swap3A_169 {strides = array<i32>} : memref<512x32xf32, #tpu.memory_space<vmem>>, vector<1x16xf32>,
          %get3A_170 = arith.index_cast %scan3A_159 : i32 to index
          %get3A_171 = arith.constant 16 : index
          %get3A_172 = tpu.vector_load %arg12[%get3A_170, %get3A_171] {strides = array<i32>} : memref<512x32xf32, #tpu.memory_space<vmem>>, vector<1x16xf32>,
          %get3A_173 = vector.shape_cast %get3A_172 : vector<1x16xf32> to vector<16xf32>
          %mul3A_174 = arith.constant 5.65685415 : f32
          %mul3A_175 = vector.broadcast %mul3A_174 : f32 to vector<16xf32>
          %mul3A_176 = arith.mulf %get3A_173, %mul3A_175 : vector<16xf32>
          %swap3A_177 = arith.index_cast %scan3A_159 : i32 to index
          %swap3A_178 = arith.constant 16 : index
          %swap3A_179 = tpu.vector_load %arg12[%swap3A_177, %swap3A_178] {strides = array<i32>} : memref<512x32xf32, #tpu.memory_space<vmem>>, vector<1x16xf32>,
          %swap3A_180 = vector.shape_cast %swap3A_179 : vector<1x16xf32> to vector<16xf32>
          %swap3A_181 = vector.shape_cast %mul3A_176 : vector<16xf32> to vector<1x16xf32>
          tpu.vector_store %arg12[%swap3A_177, %swap3A_178], %swap3A_181 {strides = array<i32>} : memref<512x32xf32, #tpu.memory_space<vmem>>, vector<1x16xf32>,
          %scan3A_182 = arith.constant 1 : i32
          %scan3A_183 = arith.addi %scan3A_159, %scan3A_182 : i32
          %get3A_184 = arith.index_cast %scan3A_183 : i32 to index
          %get3A_185 = arith.constant 0 : index
          %get3A_186 = tpu.vector_load %arg12[%get3A_184, %get3A_185] {strides = array<i32>} : memref<512x32xf32, #tpu.memory_space<vmem>>, vector<1x16xf32>,
          %get3A_187 = vector.shape_cast %get3A_186 : vector<1x16xf32> to vector<16xf32>
          %mul3A_188 = arith.constant 5.65685415 : f32
          %mul3A_189 = vector.broadcast %mul3A_188 : f32 to vector<16xf32>
          %mul3A_190 = arith.mulf %get3A_187, %mul3A_189 : vector<16xf32>
          %swap3A_191 = arith.index_cast %scan3A_183 : i32 to index
          %swap3A_192 = arith.constant 0 : index
          %swap3A_193 = tpu.vector_load %arg12[%swap3A_191, %swap3A_192] {strides = array<i32>} : memref<512x32xf32, #tpu.memory_space<vmem>>, vector<1x16xf32>,
          %swap3A_194 = vector.shape_cast %swap3A_193 : vector<1x16xf32> to vector<16xf32>
          %swap3A_195 = vector.shape_cast %mul3A_190 : vector<16xf32> to vector<1x16xf32>
          tpu.vector_store %arg12[%swap3A_191, %swap3A_192], %swap3A_195 {strides = array<i32>} : memref<512x32xf32, #tpu.memory_space<vmem>>, vector<1x16xf32>,
          %get3A_196 = arith.index_cast %scan3A_183 : i32 to index
          %get3A_197 = arith.constant 16 : index
          %get3A_198 = tpu.vector_load %arg12[%get3A_196, %get3A_197] {strides = array<i32>} : memref<512x32xf32, #tpu.memory_space<vmem>>, vector<1x16xf32>,
          %get3A_199 = vector.shape_cast %get3A_198 : vector<1x16xf32> to vector<16xf32>
          %mul3A_200 = arith.constant 5.65685415 : f32
          %mul3A_201 = vector.broadcast %mul3A_200 : f32 to vector<16xf32>
          %mul3A_202 = arith.mulf %get3A_199, %mul3A_201 : vector<16xf32>
          %swap3A_203 = arith.index_cast %scan3A_183 : i32 to index
          %swap3A_204 = arith.constant 16 : index
          %swap3A_205 = tpu.vector_load %arg12[%swap3A_203, %swap3A_204] {strides = array<i32>} : memref<512x32xf32, #tpu.memory_space<vmem>>, vector<1x16xf32>,
          %swap3A_206 = vector.shape_cast %swap3A_205 : vector<1x16xf32> to vector<16xf32>
          %swap3A_207 = vector.shape_cast %mul3A_202 : vector<16xf32> to vector<1x16xf32>
          tpu.vector_store %arg12[%swap3A_203, %swap3A_204], %swap3A_207 {strides = array<i32>} : memref<512x32xf32, #tpu.memory_space<vmem>>, vector<1x16xf32>,
          %scan3A_208 = arith.constant 2 : i32
          %scan3A_209 = arith.addi %scan3A_159, %scan3A_208 : i32
          %get3A_210 = arith.index_cast %scan3A_209 : i32 to index
          %get3A_211 = arith.constant 0 : index
          %get3A_212 = tpu.vector_load %arg12[%get3A_210, %get3A_211] {strides = array<i32>} : memref<512x32xf32, #tpu.memory_space<vmem>>, vector<1x16xf32>,
          %get3A_213 = vector.shape_cast %get3A_212 : vector<1x16xf32> to vector<16xf32>
          %mul3A_214 = arith.constant 5.65685415 : f32
          %mul3A_215 = vector.broadcast %mul3A_214 : f32 to vector<16xf32>
          %mul3A_216 = arith.mulf %get3A_213, %mul3A_215 : vector<16xf32>
          %swap3A_217 = arith.index_cast %scan3A_209 : i32 to index
          %swap3A_218 = arith.constant 0 : index
          %swap3A_219 = tpu.vector_load %arg12[%swap3A_217, %swap3A_218] {strides = array<i32>} : memref<512x32xf32, #tpu.memory_space<vmem>>, vector<1x16xf32>,
          %swap3A_220 = vector.shape_cast %swap3A_219 : vector<1x16xf32> to vector<16xf32>
          %swap3A_221 = vector.shape_cast %mul3A_216 : vector<16xf32> to vector<1x16xf32>
          tpu.vector_store %arg12[%swap3A_217, %swap3A_218], %swap3A_221 {strides = array<i32>} : memref<512x32xf32, #tpu.memory_space<vmem>>, vector<1x16xf32>,
          %get3A_222 = arith.index_cast %scan3A_209 : i32 to index
          %get3A_223 = arith.constant 16 : index
          %get3A_224 = tpu.vector_load %arg12[%get3A_222, %get3A_223] {strides = array<i32>} : memref<512x32xf32, #tpu.memory_space<vmem>>, vector<1x16xf32>,
          %get3A_225 = vector.shape_cast %get3A_224 : vector<1x16xf32> to vector<16xf32>
          %mul3A_226 = arith.constant 5.65685415 : f32
          %mul3A_227 = vector.broadcast %mul3A_226 : f32 to vector<16xf32>
          %mul3A_228 = arith.mulf %get3A_225, %mul3A_227 : vector<16xf32>
          %swap3A_229 = arith.index_cast %scan3A_209 : i32 to index
          %swap3A_230 = arith.constant 16 : index
          %swap3A_231 = tpu.vector_load %arg12[%swap3A_229, %swap3A_230] {strides = array<i32>} : memref<512x32xf32, #tpu.memory_space<vmem>>, vector<1x16xf32>,
          %swap3A_232 = vector.shape_cast %swap3A_231 : vector<1x16xf32> to vector<16xf32>
          %swap3A_233 = vector.shape_cast %mul3A_228 : vector<16xf32> to vector<1x16xf32>
          tpu.vector_store %arg12[%swap3A_229, %swap3A_230], %swap3A_233 {strides = array<i32>} : memref<512x32xf32, #tpu.memory_space<vmem>>, vector<1x16xf32>,
          %scan3A_234 = arith.constant 3 : i32
          %scan3A_235 = arith.addi %scan3A_159, %scan3A_234 : i32
          %get3A_236 = arith.index_cast %scan3A_235 : i32 to index
          %get3A_237 = arith.constant 0 : index
          %get3A_238 = tpu.vector_load %arg12[%get3A_236, %get3A_237] {strides = array<i32>} : memref<512x32xf32, #tpu.memory_space<vmem>>, vector<1x16xf32>,
          %get3A_239 = vector.shape_cast %get3A_238 : vector<1x16xf32> to vector<16xf32>
          %mul3A_240 = arith.constant 5.65685415 : f32
          %mul3A_241 = vector.broadcast %mul3A_240 : f32 to vector<16xf32>
          %mul3A_242 = arith.mulf %get3A_239, %mul3A_241 : vector<16xf32>
          %swap3A_243 = arith.index_cast %scan3A_235 : i32 to index
          %swap3A_244 = arith.constant 0 : index
          %swap3A_245 = tpu.vector_load %arg12[%swap3A_243, %swap3A_244] {strides = array<i32>} : memref<512x32xf32, #tpu.memory_space<vmem>>, vector<1x16xf32>,
          %swap3A_246 = vector.shape_cast %swap3A_245 : vector<1x16xf32> to vector<16xf32>
          %swap3A_247 = vector.shape_cast %mul3A_242 : vector<16xf32> to vector<1x16xf32>
          tpu.vector_store %arg12[%swap3A_243, %swap3A_244], %swap3A_247 {strides = array<i32>} : memref<512x32xf32, #tpu.memory_space<vmem>>, vector<1x16xf32>,
          %get3A_248 = arith.index_cast %scan3A_235 : i32 to index
          %get3A_249 = arith.constant 16 : index
          %get3A_250 = tpu.vector_load %arg12[%get3A_248, %get3A_249] {strides = array<i32>} : memref<512x32xf32, #tpu.memory_space<vmem>>, vector<1x16xf32>,
          %get3A_251 = vector.shape_cast %get3A_250 : vector<1x16xf32> to vector<16xf32>
          %mul3A_252 = arith.constant 5.65685415 : f32
          %mul3A_253 = vector.broadcast %mul3A_252 : f32 to vector<16xf32>
          %mul3A_254 = arith.mulf %get3A_251, %mul3A_253 : vector<16xf32>
          %swap3A_255 = arith.index_cast %scan3A_235 : i32 to index
          %swap3A_256 = arith.constant 16 : index
          %swap3A_257 = tpu.vector_load %arg12[%swap3A_255, %swap3A_256] {strides = array<i32>} : memref<512x32xf32, #tpu.memory_space<vmem>>, vector<1x16xf32>,
          %swap3A_258 = vector.shape_cast %swap3A_257 : vector<1x16xf32> to vector<16xf32>
          %swap3A_259 = vector.shape_cast %mul3A_254 : vector<16xf32> to vector<1x16xf32>
          tpu.vector_store %arg12[%swap3A_255, %swap3A_256], %swap3A_259 {strides = array<i32>} : memref<512x32xf32, #tpu.memory_space<vmem>>, vector<1x16xf32>,
          %scan3A_260 = arith.constant 4 : i32
          %scan3A_261 = arith.addi %scan3A_159, %scan3A_260 : i32
          %get3A_262 = arith.index_cast %scan3A_261 : i32 to index
          %get3A_263 = arith.constant 0 : index
          %get3A_264 = tpu.vector_load %arg12[%get3A_262, %get3A_263] {strides = array<i32>} : memref<512x32xf32, #tpu.memory_space<vmem>>, vector<1x16xf32>,
          %get3A_265 = vector.shape_cast %get3A_264 : vector<1x16xf32> to vector<16xf32>
          %mul3A_266 = arith.constant 5.65685415 : f32
          %mul3A_267 = vector.broadcast %mul3A_266 : f32 to vector<16xf32>
          %mul3A_268 = arith.mulf %get3A_265, %mul3A_267 : vector<16xf32>
          %swap3A_269 = arith.index_cast %scan3A_261 : i32 to index
          %swap3A_270 = arith.constant 0 : index
          %swap3A_271 = tpu.vector_load %arg12[%swap3A_269, %swap3A_270] {strides = array<i32>} : memref<512x32xf32, #tpu.memory_space<vmem>>, vector<1x16xf32>,
          %swap3A_272 = vector.shape_cast %swap3A_271 : vector<1x16xf32> to vector<16xf32>
          %swap3A_273 = vector.shape_cast %mul3A_268 : vector<16xf32> to vector<1x16xf32>
          tpu.vector_store %arg12[%swap3A_269, %swap3A_270], %swap3A_273 {strides = array<i32>} : memref<512x32xf32, #tpu.memory_space<vmem>>, vector<1x16xf32>,
          %get3A_274 = arith.index_cast %scan3A_261 : i32 to index
          %get3A_275 = arith.constant 16 : index
          %get3A_276 = tpu.vector_load %arg12[%get3A_274, %get3A_275] {strides = array<i32>} : memref<512x32xf32, #tpu.memory_space<vmem>>, vector<1x16xf32>,
          %get3A_277 = vector.shape_cast %get3A_276 : vector<1x16xf32> to vector<16xf32>
          %mul3A_278 = arith.constant 5.65685415 : f32
          %mul3A_279 = vector.broadcast %mul3A_278 : f32 to vector<16xf32>
          %mul3A_280 = arith.mulf %get3A_277, %mul3A_279 : vector<16xf32>
          %swap3A_281 = arith.index_cast %scan3A_261 : i32 to index
          %swap3A_282 = arith.constant 16 : index
          %swap3A_283 = tpu.vector_load %arg12[%swap3A_281, %swap3A_282] {strides = array<i32>} : memref<512x32xf32, #tpu.memory_space<vmem>>, vector<1x16xf32>,
          %swap3A_284 = vector.shape_cast %swap3A_283 : vector<1x16xf32> to vector<16xf32>
          %swap3A_285 = vector.shape_cast %mul3A_280 : vector<16xf32> to vector<1x16xf32>
          tpu.vector_store %arg12[%swap3A_281, %swap3A_282], %swap3A_285 {strides = array<i32>} : memref<512x32xf32, #tpu.memory_space<vmem>>, vector<1x16xf32>,
          %scan3A_286 = arith.constant 5 : i32
          %scan3A_287 = arith.addi %scan3A_159, %scan3A_286 : i32
          %get3A_288 = arith.index_cast %scan3A_287 : i32 to index
          %get3A_289 = arith.constant 0 : index
          %get3A_290 = tpu.vector_load %arg12[%get3A_288, %get3A_289] {strides = array<i32>} : memref<512x32xf32, #tpu.memory_space<vmem>>, vector<1x16xf32>,
          %get3A_291 = vector.shape_cast %get3A_290 : vector<1x16xf32> to vector<16xf32>
          %mul3A_292 = arith.constant 5.65685415 : f32
          %mul3A_293 = vector.broadcast %mul3A_292 : f32 to vector<16xf32>
          %mul3A_294 = arith.mulf %get3A_291, %mul3A_293 : vector<16xf32>
          %swap3A_295 = arith.index_cast %scan3A_287 : i32 to index
          %swap3A_296 = arith.constant 0 : index
          %swap3A_297 = tpu.vector_load %arg12[%swap3A_295, %swap3A_296] {strides = array<i32>} : memref<512x32xf32, #tpu.memory_space<vmem>>, vector<1x16xf32>,
          %swap3A_298 = vector.shape_cast %swap3A_297 : vector<1x16xf32> to vector<16xf32>
          %swap3A_299 = vector.shape_cast %mul3A_294 : vector<16xf32> to vector<1x16xf32>
          tpu.vector_store %arg12[%swap3A_295, %swap3A_296], %swap3A_299 {strides = array<i32>} : memref<512x32xf32, #tpu.memory_space<vmem>>, vector<1x16xf32>,
          %get3A_300 = arith.index_cast %scan3A_287 : i32 to index
          %get3A_301 = arith.constant 16 : index
          %get3A_302 = tpu.vector_load %arg12[%get3A_300, %get3A_301] {strides = array<i32>} : memref<512x32xf32, #tpu.memory_space<vmem>>, vector<1x16xf32>,
          %get3A_303 = vector.shape_cast %get3A_302 : vector<1x16xf32> to vector<16xf32>
          %mul3A_304 = arith.constant 5.65685415 : f32
          %mul3A_305 = vector.broadcast %mul3A_304 : f32 to vector<16xf32>
          %mul3A_306 = arith.mulf %get3A_303, %mul3A_305 : vector<16xf32>
          %swap3A_307 = arith.index_cast %scan3A_287 : i32 to index
          %swap3A_308 = arith.constant 16 : index
          %swap3A_309 = tpu.vector_load %arg12[%swap3A_307, %swap3A_308] {strides = array<i32>} : memref<512x32xf32, #tpu.memory_space<vmem>>, vector<1x16xf32>,
          %swap3A_310 = vector.shape_cast %swap3A_309 : vector<1x16xf32> to vector<16xf32>
          %swap3A_311 = vector.shape_cast %mul3A_306 : vector<16xf32> to vector<1x16xf32>
          tpu.vector_store %arg12[%swap3A_307, %swap3A_308], %swap3A_311 {strides = array<i32>} : memref<512x32xf32, #tpu.memory_space<vmem>>, vector<1x16xf32>,
          %scan3A_312 = arith.constant 6 : i32
          %scan3A_313 = arith.addi %scan3A_159, %scan3A_312 : i32
          %get3A_314 = arith.index_cast %scan3A_313 : i32 to index
          %get3A_315 = arith.constant 0 : index
          %get3A_316 = tpu.vector_load %arg12[%get3A_314, %get3A_315] {strides = array<i32>} : memref<512x32xf32, #tpu.memory_space<vmem>>, vector<1x16xf32>,
          %get3A_317 = vector.shape_cast %get3A_316 : vector<1x16xf32> to vector<16xf32>
          %mul3A_318 = arith.constant 5.65685415 : f32
          %mul3A_319 = vector.broadcast %mul3A_318 : f32 to vector<16xf32>
          %mul3A_320 = arith.mulf %get3A_317, %mul3A_319 : vector<16xf32>
          %swap3A_321 = arith.index_cast %scan3A_313 : i32 to index
          %swap3A_322 = arith.constant 0 : index
          %swap3A_323 = tpu.vector_load %arg12[%swap3A_321, %swap3A_322] {strides = array<i32>} : memref<512x32xf32, #tpu.memory_space<vmem>>, vector<1x16xf32>,
          %swap3A_324 = vector.shape_cast %swap3A_323 : vector<1x16xf32> to vector<16xf32>
          %swap3A_325 = vector.shape_cast %mul3A_320 : vector<16xf32> to vector<1x16xf32>
          tpu.vector_store %arg12[%swap3A_321, %swap3A_322], %swap3A_325 {strides = array<i32>} : memref<512x32xf32, #tpu.memory_space<vmem>>, vector<1x16xf32>,
          %get3A_326 = arith.index_cast %scan3A_313 : i32 to index
          %get3A_327 = arith.constant 16 : index
          %get3A_328 = tpu.vector_load %arg12[%get3A_326, %get3A_327] {strides = array<i32>} : memref<512x32xf32, #tpu.memory_space<vmem>>, vector<1x16xf32>,
          %get3A_329 = vector.shape_cast %get3A_328 : vector<1x16xf32> to vector<16xf32>
          %mul3A_330 = arith.constant 5.65685415 : f32
          %mul3A_331 = vector.broadcast %mul3A_330 : f32 to vector<16xf32>
          %mul3A_332 = arith.mulf %get3A_329, %mul3A_331 : vector<16xf32>
          %swap3A_333 = arith.index_cast %scan3A_313 : i32 to index
          %swap3A_334 = arith.constant 16 : index
          %swap3A_335 = tpu.vector_load %arg12[%swap3A_333, %swap3A_334] {strides = array<i32>} : memref<512x32xf32, #tpu.memory_space<vmem>>, vector<1x16xf32>,
          %swap3A_336 = vector.shape_cast %swap3A_335 : vector<1x16xf32> to vector<16xf32>
          %swap3A_337 = vector.shape_cast %mul3A_332 : vector<16xf32> to vector<1x16xf32>
          tpu.vector_store %arg12[%swap3A_333, %swap3A_334], %swap3A_337 {strides = array<i32>} : memref<512x32xf32, #tpu.memory_space<vmem>>, vector<1x16xf32>,
          %scan3A_338 = arith.constant 7 : i32
          %scan3A_339 = arith.addi %scan3A_159, %scan3A_338 : i32
          %get3A_340 = arith.index_cast %scan3A_339 : i32 to index
          %get3A_341 = arith.constant 0 : index
          %get3A_342 = tpu.vector_load %arg12[%get3A_340, %get3A_341] {strides = array<i32>} : memref<512x32xf32, #tpu.memory_space<vmem>>, vector<1x16xf32>,
          %get3A_343 = vector.shape_cast %get3A_342 : vector<1x16xf32> to vector<16xf32>
          %mul3A_344 = arith.constant 5.65685415 : f32
          %mul3A_345 = vector.broadcast %mul3A_344 : f32 to vector<16xf32>
          %mul3A_346 = arith.mulf %get3A_343, %mul3A_345 : vector<16xf32>
          %swap3A_347 = arith.index_cast %scan3A_339 : i32 to index
          %swap3A_348 = arith.constant 0 : index
          %swap3A_349 = tpu.vector_load %arg12[%swap3A_347, %swap3A_348] {strides = array<i32>} : memref<512x32xf32, #tpu.memory_space<vmem>>, vector<1x16xf32>,
          %swap3A_350 = vector.shape_cast %swap3A_349 : vector<1x16xf32> to vector<16xf32>
          %swap3A_351 = vector.shape_cast %mul3A_346 : vector<16xf32> to vector<1x16xf32>
          tpu.vector_store %arg12[%swap3A_347, %swap3A_348], %swap3A_351 {strides = array<i32>} : memref<512x32xf32, #tpu.memory_space<vmem>>, vector<1x16xf32>,
          %get3A_352 = arith.index_cast %scan3A_339 : i32 to index
          %get3A_353 = arith.constant 16 : index
          %get3A_354 = tpu.vector_load %arg12[%get3A_352, %get3A_353] {strides = array<i32>} : memref<512x32xf32, #tpu.memory_space<vmem>>, vector<1x16xf32>,
          %get3A_355 = vector.shape_cast %get3A_354 : vector<1x16xf32> to vector<16xf32>
          %mul3A_356 = arith.constant 5.65685415 : f32
          %mul3A_357 = vector.broadcast %mul3A_356 : f32 to vector<16xf32>
          %mul3A_358 = arith.mulf %get3A_355, %mul3A_357 : vector<16xf32>
          %swap3A_359 = arith.index_cast %scan3A_339 : i32 to index
          %swap3A_360 = arith.constant 16 : index
          %swap3A_361 = tpu.vector_load %arg12[%swap3A_359, %swap3A_360] {strides = array<i32>} : memref<512x32xf32, #tpu.memory_space<vmem>>, vector<1x16xf32>,
          %swap3A_362 = vector.shape_cast %swap3A_361 : vector<1x16xf32> to vector<16xf32>
          %swap3A_363 = vector.shape_cast %mul3A_358 : vector<16xf32> to vector<1x16xf32>
          tpu.vector_store %arg12[%swap3A_359, %swap3A_360], %swap3A_363 {strides = array<i32>} : memref<512x32xf32, #tpu.memory_space<vmem>>, vector<1x16xf32>,
        }
        %scan3A_151 = arith.constant 512 : i32
        %mul3A_152 = arith.constant 512 : i32
        %mul3A_153 = arith.muli %sub3A_127, %mul3A_152 : i32
        %add3A_154 = arith.addi %mul3A_2, %mul3A_153 : i32
        %dma_start3A_155 = arith.constant 0 : i32
        %dma_start3A_156 = tpu.memref_slice %arg4[%add3A_154, %dma_start3A_155] : memref<3276800x32xf32, #tpu.memory_space<hbm>> -> memref<512x32xf32, #tpu.memory_space<hbm>>
        %dma_start3A_157 = arith.constant 0 : i32
        %dma_start3A_158 = tpu.memref_slice %arg4[%add3A_154, %dma_start3A_157] : memref<3276800x32xf32, #tpu.memory_space<hbm>> -> memref<512x32xf32, #tpu.memory_space<hbm>>
        tpu.enqueue_dma source(%arg12 : memref<512x32xf32, #tpu.memory_space<vmem>>) target(%dma_start3A_158 : memref<512x32xf32, #tpu.memory_space<hbm>>) target_semaphore(%arg27 : memref<!tpu.dma_semaphore, #tpu.memory_space<semaphore_mem>>)
      } else {
      }
    }
    %scan3A_26 = arith.constant 41 : i32
    %dma_wait3A = arith.constant 0 : i32
    %dma_wait3A_27 = tpu.memref_slice %arg4[%mul3A_2, %dma_wait3A] : memref<3276800x32xf32, #tpu.memory_space<hbm>> -> memref<512x32xf32, #tpu.memory_space<hbm>>
    %dma_wait3A_28 = arith.constant 0 : i32
    %dma_wait3A_29 = tpu.memref_slice %arg4[%mul3A_2, %dma_wait3A_28] : memref<3276800x32xf32, #tpu.memory_space<hbm>> -> memref<512x32xf32, #tpu.memory_space<hbm>>
    tpu.wait_dma2 semaphore(%arg25 : memref<!tpu.dma_semaphore, #tpu.memory_space<semaphore_mem>>) src(%arg10 : memref<512x32xf32, #tpu.memory_space<vmem>>) dst(%dma_wait3A_29 : memref<512x32xf32, #tpu.memory_space<hbm>>)
    %dma_wait3A_30 = arith.constant 0 : i32
    %dma_wait3A_31 = tpu.memref_slice %arg4[%mul3A_2, %dma_wait3A_30] : memref<3276800x32xf32, #tpu.memory_space<hbm>> -> memref<512x32xf32, #tpu.memory_space<hbm>>
    %dma_wait3A_32 = arith.constant 0 : i32
    %dma_wait3A_33 = tpu.memref_slice %arg4[%mul3A_2, %dma_wait3A_32] : memref<3276800x32xf32, #tpu.memory_space<hbm>> -> memref<512x32xf32, #tpu.memory_space<hbm>>
    tpu.wait_dma2 semaphore(%arg26 : memref<!tpu.dma_semaphore, #tpu.memory_space<semaphore_mem>>) src(%arg11 : memref<512x32xf32, #tpu.memory_space<vmem>>) dst(%dma_wait3A_33 : memref<512x32xf32, #tpu.memory_space<hbm>>)
    %dma_wait3A_34 = arith.constant 0 : i32
    %dma_wait3A_35 = tpu.memref_slice %arg4[%mul3A_2, %dma_wait3A_34] : memref<3276800x32xf32, #tpu.memory_space<hbm>> -> memref<512x32xf32, #tpu.memory_space<hbm>>
    %dma_wait3A_36 = arith.constant 0 : i32
    %dma_wait3A_37 = tpu.memref_slice %arg4[%mul3A_2, %dma_wait3A_36] : memref<3276800x32xf32, #tpu.memory_space<hbm>> -> memref<512x32xf32, #tpu.memory_space<hbm>>
    tpu.wait_dma2 semaphore(%arg27 : memref<!tpu.dma_semaphore, #tpu.memory_space<semaphore_mem>>) src(%arg12 : memref<512x32xf32, #tpu.memory_space<vmem>>) dst(%dma_wait3A_37 : memref<512x32xf32, #tpu.memory_space<hbm>>)
    %dma_wait3A_38 = arith.constant 0 : i32
    %dma_wait3A_39 = tpu.memref_slice %arg4[%mul3A_2, %dma_wait3A_38] : memref<3276800x32xf32, #tpu.memory_space<hbm>> -> memref<512x32xf32, #tpu.memory_space<hbm>>
    %dma_wait3A_40 = arith.constant 0 : i32
    %dma_wait3A_41 = tpu.memref_slice %arg4[%mul3A_2, %dma_wait3A_40] : memref<3276800x32xf32, #tpu.memory_space<hbm>> -> memref<512x32xf32, #tpu.memory_space<hbm>>
    tpu.wait_dma2 semaphore(%arg28 : memref<!tpu.dma_semaphore, #tpu.memory_space<semaphore_mem>>) src(%arg13 : memref<512x32xf32, #tpu.memory_space<vmem>>) dst(%dma_wait3A_41 : memref<512x32xf32, #tpu.memory_space<hbm>>)
    %dma_wait3A_42 = arith.constant 0 : i32
    %dma_wait3A_43 = tpu.memref_slice %arg4[%mul3A_2, %dma_wait3A_42] : memref<3276800x32xf32, #tpu.memory_space<hbm>> -> memref<512x32xf32, #tpu.memory_space<hbm>>
    %dma_wait3A_44 = arith.constant 0 : i32
    %dma_wait3A_45 = tpu.memref_slice %arg4[%mul3A_2, %dma_wait3A_44] : memref<3276800x32xf32, #tpu.memory_space<hbm>> -> memref<512x32xf32, #tpu.memory_space<hbm>>
    tpu.wait_dma2 semaphore(%arg29 : memref<!tpu.dma_semaphore, #tpu.memory_space<semaphore_mem>>) src(%arg14 : memref<512x32xf32, #tpu.memory_space<vmem>>) dst(%dma_wait3A_45 : memref<512x32xf32, #tpu.memory_space<hbm>>)
    return
  }
}

</mosaic_0001>

<sc_bundles>
// kernel: kernel.3.cloned.1.call-start
scs
__scs_entry_jumppad:
0x0: {  	(pc) =	sbr.rel $0x88, $3  }
0x1: {  	(tag) =	ssettag $0x0;
	lr =	simm.s32 $0x1  }
0x2: {  	[smem:$0x3F9F] =	sst lr;
	_ =	strace $0xD0000000  }
0x3: {  	_ = 	snop  }
0x4: {  	_ = 	snop  }
0x5: {  	_ = 	snop  }
0x6: {  	_ = 	snop  }
0x7: {  	_ = 	snop  }
__scs_overlays_trampoline_lowered:
0x8: {  	[smem:$0x3FAE] =	sst s0  }
0x9: {  	[smem:$0x3FAF] =	sst s1  }
0xa: {  	[smem:$0x3FB0] =	sst s2  }
0xb: {  	[smem:$0x3FB1] =	sst s3  }
0xc: {  	[smem:$0x3FB2] =	sst s4  }
0xd: {  	[smem:$0x3FB3] =	sst s5  }
0xe: {  	[smem:$0x3FB4] =	sst s6  }
0xf: {  	[smem:$0x3FB5] =	sst s7  }
0x10: {  	[smem:$0x3FB6] =	sst s8  }
0x11: {  	[smem:$0x3FB7] =	sst s9;
	s0 =	simm.s32 @!p0 $0x0  }
0x12: {  	s1 =	sld [smem:$0x3F9D];
	s0 =	simm.s32 @p0 $0x1  }
0x13: {  	[smem:$0x3FB8] =	sst s0;
	s0 =	simm.s32 @!p1 $0x0  }
0x14: {  	s2 =	sld [smem:$0x3F9C];
	s0 =	simm.s32 @p1 $0x1  }
0x15: {  	[smem:$0x3FB9] =	sst s0;
	s0 =	simm.s32 @!p2 $0x0  }
0x16: {  	s3 =	sld [smem:$0x3FDB];
	s0 =	simm.s32 @p2 $0x1  }
0x17: {  	s4 =	simm.s32 $0x1BF5;
	[smem:$0x3FBB] =	sst s0  }
0x18: {  	s0 =	sld [smem:$0x3F9E];
	_ =	swait.ge [sflag:s4], $0x0  }
0x19: {  	s7 =	sld [smem:$0x3F9F]  }
0x1a: {  	s8 =	sadd.s32 $0xFFFFE003, lr  }
0x1b: {  	s9 =	sadd.s32 $0xFFFFFEF7, lr;
	s5 =	simm.s32 $0xFFFFFFFF;
	p2 =	slt.u32 s8, $0xFFFFF086  }
0x1c: {  	p1 =	slt.u32 s9, $0xF7A;
	s5 =	simm.s32 @!p2 $0x0  }
0x1d: {  	s5 =	simm.s32 @p1 $0x1;
	p0 =	seq.s32 s7, s2  }
0x1e: {  	s7 =	smul.u32 @!p0 $0xF7A, s2;
	p2 =	seq.s32 @!p0 s5, $0x0  }
0x1f: {  	s9 =	smul.u32 $0xF7A, s1;
	s8 =	simm.s32 @!p0 $0x1BF5;
	p2 =	por !p2, p0  }
0x20: {  	[sflag:s8] =	ssyncset.s32 @!p0 $0xFFFFF086;
	s6 =	sadd.s32 @!p0 s3, s7;
	s7 =	simm.s32 @!p0 $0x108  }
0x21: {  	s3 =	sadd.s32 s3, s9;
	s6 =	sadd.s32 @!p0 $0x88, s6;
	s7 =	simm.s32 @p2 $0x1082  }
0x22: {  	[simem:s7], [sflag:s8] =	dma.local @!p0 [hbm:s6], $0xF7A  }
0x23: {  	s9 =	sor.u32 $0xD0000000, s2;
	s6 =	simm.s32 $0x108;
	_ =	swait.ge @!p0 [sflag:s8], $0x0  }
0x24: {  	s3 =	sadd.s32 $0x88, s3;
	s6 =	simm.s32 @!p1 $0x1082;
	[sflag:s4] =	ssyncset.s32 $0xFFFFF086  }
0x25: {  	[simem:s6], [sflag:s4] =	dma.local [hbm:s3], $0xF7A  }
0x26: {  	[smem:$0x3F9F] =	sst s1;
	(tag) =	ssettag s2;
	_ =	strace s9  }
0x27: {  	s1 =	sld [smem:$0x3FAF]  }
0x28: {  	s2 =	sld [smem:$0x3FB0]  }
0x29: {  	s4 =	sld [smem:$0x3FB2]  }
0x2a: {  	p0 =	seq.s32 s5, $0x0;
	s5 =	sld [smem:$0x3FB3]  }
0x2b: {  	s6 =	sld [smem:$0x3FB4]  }
0x2c: {  	s7 =	sld [smem:$0x3FB5]  }
0x2d: {  	s3 =	simm.s32 $0x108;
	s8 =	sld [smem:$0x3FB6]  }
0x2e: {  	s3 =	simm.s32 @!p0 $0x1082;
	s9 =	sld [smem:$0x3FB7]  }
0x2f: {  	lr =	sadd.s32 s0, s3;
	s0 =	sld [smem:$0x3FAE]  }
0x30: {  	s3 =	sld [smem:$0x3FB1]  }
0x31: {  	[smem:$0x3FBA] =	sst s10  }
0x32: {  	s10 =	sld [smem:$0x3FB8];
	_ =	sdelay $0x3  }
0x33: {  	p0 =	seq.s32 s10, $0x1;
	s10 =	sld [smem:$0x3FBA];
	_ =	sdelay $0x3  }
0x34: {  	[smem:$0x3FBA] =	sst s10  }
0x35: {  	s10 =	sld [smem:$0x3FB9];
	_ =	sdelay $0x3  }
0x36: {  	p1 =	seq.s32 s10, $0x1;
	s10 =	sld [smem:$0x3FBA];
	_ =	sdelay $0x3  }
0x37: {  	[smem:$0x3FBA] =	sst s10  }
0x38: {  	s10 =	sld [smem:$0x3FBB]  }
0x39: {  	_ = 	snop;
	(pc) =	sbr.ind lr, $3  }
0x3a: {  	_ = 	snop  }
0x3b: {  	_ = 	snop  }
0x3c: {  	p2 =	seq.s32 s10, $0x1;
	s10 =	sld [smem:$0x3FBA]  }
0x3d: {  	_ =	shalt  }
0x3e: {  	_ =	shalt  }
0x3f: {  	_ =	shalt  }
0x40: {  	_ =	shalt  }
0x41: {  	_ =	shalt  }
0x42: {  	_ =	shalt  }
0x43: {  	_ =	shalt  }
0x44: {  	_ =	shalt  }
0x45: {  	_ =	shalt  }
0x46: {  	_ =	shalt  }
0x47: {  	_ =	shalt  }
0x48: {  	_ =	shalt  }
0x49: {  	_ =	shalt  }
0x4a: {  	_ =	shalt  }
0x4b: {  	_ =	shalt  }
0x4c: {  	_ =	shalt  }
0x4d: {  	_ =	shalt  }
0x4e: {  	_ =	shalt  }
0x4f: {  	_ =	shalt  }
0x50: {  	_ =	shalt  }
0x51: {  	_ =	shalt  }
0x52: {  	_ =	shalt  }
0x53: {  	_ =	shalt  }
0x54: {  	_ =	shalt  }
0x55: {  	_ =	shalt  }
0x56: {  	_ =	shalt  }
0x57: {  	_ =	shalt  }
0x58: {  	_ =	shalt  }
0x59: {  	_ =	shalt  }
0x5a: {  	_ =	shalt  }
0x5b: {  	_ =	shalt  }
0x5c: {  	_ =	shalt  }
0x5d: {  	_ =	shalt  }
0x5e: {  	_ =	shalt  }
0x5f: {  	_ =	shalt  }
0x60: {  	_ =	shalt  }
0x61: {  	_ =	shalt  }
0x62: {  	_ =	shalt  }
0x63: {  	_ =	shalt  }
0x64: {  	_ =	shalt  }
0x65: {  	_ =	shalt  }
0x66: {  	_ =	shalt  }
0x67: {  	_ =	shalt  }
0x68: {  	_ =	shalt  }
0x69: {  	_ =	shalt  }
0x6a: {  	_ =	shalt  }
0x6b: {  	_ =	shalt  }
0x6c: {  	_ =	shalt  }
0x6d: {  	_ =	shalt  }
0x6e: {  	_ =	shalt  }
0x6f: {  	_ =	shalt  }
0x70: {  	_ =	shalt  }
0x71: {  	_ =	shalt  }
0x72: {  	_ =	shalt  }
0x73: {  	_ =	shalt  }
0x74: {  	_ =	shalt  }
0x75: {  	_ =	shalt  }
0x76: {  	_ =	shalt  }
0x77: {  	_ =	shalt  }
0x78: {  	_ =	shalt  }
0x79: {  	_ =	shalt  }
0x7a: {  	_ =	shalt  }
0x7b: {  	_ =	shalt  }
0x7c: {  	_ =	shalt  }
0x7d: {  	_ =	shalt  }
0x7e: {  	_ =	shalt  }
0x7f: {  	_ =	shalt  }
0x80: {  	_ =	shalt  }
0x81: {  	_ =	shalt  }
0x82: {  	_ =	shalt  }
0x83: {  	_ =	shalt  }
0x84: {  	_ =	shalt  }
0x85: {  	_ =	shalt  }
0x86: {  	_ =	shalt  }
0x87: {  	_ =	shalt  }
.Lfunc_end0:
.L_simem_size_0:
called_computation.1_lowered:
.L_overlay_start_0:
0x88: {  	s2 =	sld [smem:$0x3FD9]  }
0x89: {  	s3 =	sld [smem:$0x3FFE];
	_ =	sdelay $0x1  }
0x8a: {  	s1 =	srdreg.scid  }
0x8b: {  	s0 =	sand.u32 $0x1, s1  }
0x8c: {  	s17 =	sshll.u32 s0, $0xA;
	s2 =	sadd.s32 s3, s2  }
0x8d: {  	s2 =	sadd.s32 s2, s17  }
0x8e: {  	[smem:$0x3FC6] =	sst s2  }
0x8f: {  	_ = 	snop  }
0x90: {  	s2 =	sld [smem:$0x3FD0];
	(tm) =	ssettm $0x1  }
0x91: {  	s18 =	sld [smem:$0x3FFB];
	_ =	sdelay $0x3  }
0x92: {  	_ =	strace s18  }
0x93: {  	s3 =	sld [smem:$0x3FFC];
	_ =	sdelay $0x3  }
0x94: {  	_ =	strace s3  }
0x95: {  	s3 =	sld [smem:$0x3FFD];
	_ =	sdelay $0x3  }
0x96: {  	_ =	strace s3  }
0x97: {  	_ =	strace $0x8FFFFFFF  }
0x98: {  	s19 =	sld [smem:$0x3FDB];
	_ =	sdelay $0x1  }
0x99: {  	s4 =	simm.s32 $_scs_section_size  }
0x9a: {  	s5 =	simm.s32 $_size__tile_overlayer_lowered;
	s6 =	simm.s32 $_tile_overlayer_lowered  }
0x9b: {  	s22 =	simm.s32 $0x1BFF;
	s21 =	sshll.u32 s6, $0x1;
	s3 =	sadd.s32 s4, s19  }
0x9c: {  	s7 =	simm.s32 $0x0;
	s20 =	sshll.u32 s5, $0x1;
	s5 =	sadd.s32 s21, s3  }
0x9d: {  	[timem:s7], [sflag:s22] =	dma.local [hbm:s5], s20  }
0x9e: {  	_ =	swait.ge [sflag:s22], s20  }
0x9f: {  	s4 =	ssub.s32 $0x0, s20;
	[sflag:s22] =	ssyncset.done $0x0  }
0xa0: {  	[sflag:s22] =	ssyncadd.s32 s4;
	_ =	sdelay $0x1  }
0xa1: {  	s23 =	simm.s32 $0x1B8B  }
0xa2: {  	_ =	swait.ge [sflag:s23], $0x1  }
0xa3: {  	[sflag:s23] =	ssyncset.done $0x0  }
0xa4: {  	s25 =	simm.s32 $0x1B8E;
	s24 =	sld [smem:$0x3FFE];
	[sflag:s23] =	ssyncadd.s32 $0xFFFFFFFF  }
0xa5: {  	s26 =	simm.s32 $execute0_lowered;
	[smem:$0x3FD2] =	sst s25  }
0xa6: {  	s5 =	sshll.u32 s26, $0x1;
	_ =	strace $0x80000046;
	[dreg:$0x1] =	wrdreg $0xFFFFFFFF  }
0xa7: {  	s28 =	simm.s32 $_size_execute0_lowered;
	s3 =	sadd.s32 s3, s5;
	[dreg:$0x0] =	wrdreg $0x0  }
0xa8: {  	s5 =	sshll.u32 s28, $0x1;
	[dreg:$0x2] =	wrdreg s3  }
0xa9: {  	[dreg:$0x3] =	wrdreg s5  }
0xaa: {  	[dreg:$0x4] =	wrdreg $0xC0  }
0xab: {  	_ =	task [dreg:s7], $0x5FFFF  }
0xac: {  	[dreg:$0x1] =	wrdreg $0xFFFFFFFF  }
0xad: {  	[dreg:$0x0] =	wrdreg $0x60  }
0xae: {  	[dreg:$0x2] =	wrdreg s24  }
0xaf: {  	[dreg:$0x3] =	wrdreg s2  }
0xb0: {  	[dreg:$0x4] =	wrdreg $0x9  }
0xb1: {  	_ =	task.clear_ibuf [dreg:s7], $0x5FFFF;
	_ =	strace $0x90000046  }
0xb2: {  	s29 =	simm.s32 $0x9;
	_ =	strace $0x80000048  }
0xb3: {  	_ =	swait.ge [sflag:s29], $0x1  }
0xb4: {  	[sflag:s29] =	ssyncadd.s32 $0xFFFFFFFF  }
0xb5: {  	_ =	strace $0x90000048  }
0xb6: {  	_ =	sfence  }
0xb7: {  	s30 =	sld [smem:$0x0];
	_ =	sdelay $0x2  }
0xb8: {  	s31 =	sshll.u32 s1, $0xD;
	s1 =	sshrl.u32 s1, $0x2  }
0xb9: {  	s3 =	sand.u32 $0x4000, s31;
	s1 =	sadd.s32 s1, s30  }
0xba: {  	s0 =	sor.u32 s3, s0;
	s1 =	sshll.u32 s1, $0x11  }
0xbb: {  	s0 =	sor.u32 s1, s0  }
0xbc: {  	s0 =	sadd.s32 $0x8F2B, s0  }
0xbd: {  	[sflag:s0] =	ssyncadd.remote.s32 $0x1  }
0xbe: {  	_ =	sfence.sel $0xFFFF  }
0xbf: {  	[dreg:$0x0] =	wrdreg $0xFFFFFFFF;
	(pc) =	sbr.abs _section_cstart, $3  }
0xc0: {  	[dreg:$0x1] =	wrdreg $0xFFFFFFFF  }
0xc1: {  	_ =	task.clear_ibuf [dreg:s7], $0x2FFFF;
	_ =	strace $0x9FFFFFFF  }
0xc2: {  	(tm) =	ssettm $0x7FFFFFFF  }
0xc3: {  	_ =	shalt  }
tec
execute0_lowered:
.L_overlay_start_1:
0x0: {  	(tag) =	ssettag $0x1  }
0x1: {  	s0 =	srdreg.scid  }
0x2: {  	s2 =	stileid.u32;
	s1 =	rddreg [dreg:$0x0]  }
0x3: {  	s28 =	simm.s32 $0xCA00;
	s29 =	simm.s32 $0xA;
	s30 =	simm.s32 $0x10A00  }
0x4: {  	s10 =	simm.s32 $0x3;
	s11 =	simm.s32 $0x8A00;
	s12 =	simm.s32 $0x5  }
0x5: {  	s14 =	simm.s32 $0x8;
	s0 =	sand.u32 $0x1, s0;
	s3 =	sshll.u32 s2, $0x1  }
0x6: {  	s2 =	rddreg [dreg:$0x1];
	s5 =	sadd.s32 $0x800, s1;
	s6 =	sor.u32 s0, s3  }
0x7: {  	s3 =	simm.s32 $0x0;
	s0 =	ssub.s32 $0x2, s0;
	s4 =	smul.u32 $0x19000, s6  }
0x8: {  	[smem:$0x7FF] =	sst s3;
	s8 =	sshrl.u32 s0, $0x1;
	s26 =	smul.u32 $0x320000, s6  }
0x9: {  	_ =	strace $0x80000047;
	s0 =	ssub.s32 s0, s8;
	s8 =	simm.s32 $0x7  }
0xa: {  	s7 =	sshrl.u32 s4, $0x3;
	s25 =	sor.u32 $0x600, s4;
	s13 =	sadd.s32 $0x7FFFC00, s4  }
0xb: {  	s31 =	sor.u32 $0x800, s4;
	s15 =	sadd.s32 $0x7FFFE00, s4;
	s16 =	sor.u32 $0xA00, s4  }
0xc: {  	s17 =	sor.u32 $0xC00, s4;
	s18 =	sor.u32 $0x4000, s26;
	[dreg:$0x8] =	wrdreg s25  }
0xd: {  	s19 =	sor.u32 $0xE00, s4;
	s0 =	smax.u32 s0, $0x1;
	[dreg:$0x9] =	wrdreg s31  }
0xe: {  	s20 =	sor.u32 $0x8000, s26;
	s9 =	sadd.s32 s5, s7;
	[dreg:$0xa] =	wrdreg s0  }
0xf: {  	s26 =	simm.s32 $0x9;
	s21 =	sadd.s32 $0x40, s9;
	[dreg:$0x3] =	wrdreg s9  }
.Ltmp0:
0x10: {  	s22 =	sadd.s32 $0x80, s9;
	[dreg:$0x4] =	wrdreg s21;
	(pc) =	sbr.rel .LBB2_1-.Ltmp0, $4  }
0x11: {  	s7 =	sadd.s32 $0xFA6C00, s1;
	s23 =	sadd.s32 $0xC0, s9;
	[dreg:$0x5] =	wrdreg s22  }
0x12: {  	s0 =	simm.s32 $0x4;
	s24 =	sadd.s32 $0x100, s9;
	[dreg:$0x6] =	wrdreg s23  }
0x13: {  	s9 =	simm.s32 $0x4A00;
	[dreg:$0x7] =	wrdreg s24;
	s22 =	simm.s32 $0x200  }
0x14: {  	s21 =	simm.s32 $0x6;
	s23 =	simm.s32 $0x2;
	s24 =	simm.s32 $0x0  }
.LBB2_24:
0x15: {  	s1 =	simm.s32 $0xB  }
0x16: {  	_ =	swait.ge [sflag:s1], $0x4000  }
0x17: {  	[sflag:s1] =	ssyncset.done $0x0  }
0x18: {  	s6 =	simm.s32 $0xC;
	[sflag:s1] =	ssyncadd.s32 $0xFFFFC000  }
0x19: {  	_ =	swait.ge [sflag:s6], $0x4000  }
0x1a: {  	[sflag:s6] =	ssyncset.done $0x0  }
0x1b: {  	s24 =	simm.s32 $0xD;
	[sflag:s6] =	ssyncadd.s32 $0xFFFFC000  }
0x1c: {  	_ =	swait.ge [sflag:s24], $0x4000  }
0x1d: {  	[sflag:s24] =	ssyncset.done $0x0  }
0x1e: {  	s25 =	simm.s32 $0xE;
	[sflag:s24] =	ssyncadd.s32 $0xFFFFC000  }
0x1f: {  	_ =	swait.ge [sflag:s25], $0x4000  }
0x20: {  	[sflag:s25] =	ssyncset.done $0x0  }
0x21: {  	s6 =	simm.s32 $0xF;
	[sflag:s25] =	ssyncadd.s32 $0xFFFFC000  }
0x22: {  	_ =	swait.ge [sflag:s6], $0x4000  }
0x23: {  	s24 =	rddreg [dreg:$0xb]  }
0x24: {  	s31 =	rddreg [dreg:$0xa];
	s24 =	sadd.s32 $0x1, s24  }
0x25: {  	p0 =	sne.s32 s24, s31  }
.Ltmp1:
0x26: {  	_ = 	snop;
	(pc) =	sbr.rel @!p0 .LBB2_25-.Ltmp1, $3  }
0x27: {  	_ =	sdelay $0x1  }
0x28: {  	[sflag:s6] =	ssyncset.done $0x0  }
0x29: {  	[sflag:s6] =	ssyncadd.s32 $0xFFFFC000  }
.LBB2_1:
0x2a: {  	[dreg:$0xb] =	wrdreg s24  }
0x2b: {  	s1 =	rddreg [dreg:$0x3]  }
0x2c: {  	[tilespmem:s3], [sflag:$0x1] =	stream.linear.gather [hbm4b:s1+s3], $0x200, $0x38;
	[tilespmem:$0x14A00] =	vst v63  }
0x2d: {  	s25 =	rddreg [dreg:$0x4]  }
0x2e: {  	[tilespmem:s22], [sflag:$0x2] =	stream.linear.gather [hbm4b:s25+s3], $0x200, $0x38;
	[tilespmem:$0x14A00] =	vst v63  }
0x2f: {  	s31 =	rddreg [dreg:$0x5];
	s6 =	simm.s32 $0x400  }
0x30: {  	[tilespmem:s6], [sflag:$0x3] =	stream.linear.gather [hbm4b:s31+s3], $0x200, $0x38;
	[tilespmem:$0x14A00] =	vst v63  }
0x31: {  	s24 =	simm.s32 $0x600;
	s6 =	rddreg [dreg:$0x6]  }
0x32: {  	[tilespmem:s24], [sflag:$0x4] =	stream.linear.gather [hbm4b:s6+s3], $0x200, $0x38;
	[tilespmem:$0x14A00] =	vst v63  }
0x33: {  	s1 =	simm.s32 $0x0;
	s25 =	rddreg [dreg:$0x7];
	s31 =	simm.s32 $0x800  }
0x34: {  	[tilespmem:s31], [sflag:$0x5] =	stream.linear.gather [hbm4b:s25+s3], $0x200, $0x38;
	[tilespmem:$0x14A00] =	vst v63  }
.LBB2_2:
0x35: {  	p0 =	sne.s32 s1, $0x28  }
.Ltmp2:
0x36: {  	_ = 	snop;
	(pc) =	sbr.rel @p0 .LBB2_4-.Ltmp2, $1  }
0x37: {  	_ =	sdelay $0x3  }
.Ltmp3:
0x38: {  	(pc) =	sbr.rel .LBB2_9-.Ltmp3, $4  }
0x39: {  	_ = 	snop  }
0x3a: {  	_ =	swait.ge [sflag:s26], $0x4000  }
0x3b: {  	[sflag:s26] =	ssyncset.done $0x0  }
0x3c: {  	[sflag:s26] =	ssyncadd.s32 $0xFFFFC000  }
.LBB2_4:
0x3d: {  	p1 =	sne.s32 s1, $0x0  }
.Ltmp4:
0x3e: {  	_ = 	snop;
	(pc) =	sbr.rel @!p1 .LBB2_5-.Ltmp4, $4  }
0x3f: {  	s6 =	simm.s32 $0x1  }
0x40: {  	_ =	swait.ge [sflag:s6], $0x200  }
0x41: {  	[sflag:s6] =	ssyncset.done $0x0  }
0x42: {  	[sflag:s6] =	ssyncadd.s32 $0xFFFFFE00  }
0x43: {  	s6 =	simm.s32 $0xB  }
0x44: {  	_ =	swait.ge [sflag:s6], $0x4000  }
0x45: {  	[sflag:s6] =	ssyncset.done $0x0  }
0x46: {  	s24 =	simm.s32 $0xA00;
	[sflag:s6] =	ssyncadd.s32 $0xFFFFC000  }
0x47: {  	[tilespmem:s24], [sflag:$0x6] =	stream.indirect.gather [hbm4b:s7+s22], $0x20, s3, s22, $0xb8;
	[tilespmem:$0x14A00] =	vst v63  }
0x48: {  	s31 =	smul.u32 $0xA00, s1;
	_ =	swait.ge [sflag:s26], $0x4000  }
0x49: {  	s25 =	rddreg [dreg:$0x8]  }
0x4a: {  	s6 =	sadd.s32 s31, s25  }
0x4b: {  	[sflag:s26] =	ssyncset.done $0x0;
	s6 =	sshrl.u32 s6, $0x3  }
0x4c: {  	[sflag:s26] =	ssyncadd.s32 $0xFFFFC000;
	s31 =	simm.s32 $0x600;
	s6 =	sadd.s32 s5, s6  }
0x4d: {  	[tilespmem:s31], [sflag:$0x4] =	stream.linear.gather [hbm4b:s6+s3], $0x200, $0x38;
	[tilespmem:$0x14A00] =	vst v63  }
.LBB2_9:
0x4e: {  	s24 =	simm.s32 $0xCA80  }
0x4f: {  	v0 =	vld [tilespmem:s24+$0xFFFFFF80]  }
0x50: {  	v1 =	vld [tilespmem:s24+$0xFFFFFF90]  }
0x51: {  	v2 =	vld [tilespmem:s24+$0xFFFFFFA0]  }
0x52: {  	v3 =	vld [tilespmem:s24+$0xFFFFFFB0]  }
0x53: {  	v4 =	vld [tilespmem:s24+$0xFFFFFFC0]  }
0x54: {  	v5 =	vld [tilespmem:s24+$0xFFFFFFD0];
	v0 =	vmul.f32 $5.656854150e+00, v0  }
0x55: {  	v6 =	vld [tilespmem:s24+$0xFFFFFFE0];
	v1 =	vmul.f32 $5.656854150e+00, v1  }
0x56: {  	[tilespmem:s24+$0xFFFFFF80] =	vst v0;
	v0 =	vmul.f32 $5.656854150e+00, v2;
	v2 =	vld [tilespmem:s24+$0x0]  }
0x57: {  	[tilespmem:s24+$0xFFFFFF90] =	vst v1;
	v1 =	vmul.f32 $5.656854150e+00, v3;
	v3 =	vld [tilespmem:s24+$0x10]  }
0x58: {  	[tilespmem:s24+$0xFFFFFFA0] =	vst v0;
	v0 =	vmul.f32 $5.656854150e+00, v4;
	v4 =	vld [tilespmem:s24+$0x20]  }
0x59: {  	v7 =	vld [tilespmem:s24+$0x30];
	v5 =	vmul.f32 $5.656854150e+00, v5;
	[tilespmem:s24+$0xFFFFFFB0] =	vst v1  }
0x5a: {  	v1 =	vld [tilespmem:s24+$0x40];
	[tilespmem:s24+$0xFFFFFFC0] =	vst v0;
	v0 =	vmul.f32 $5.656854150e+00, v6  }
0x5b: {  	[tilespmem:s24+$0xFFFFFFD0] =	vst v5;
	v5 =	vmul.f32 $5.656854150e+00, v2;
	v2 =	vld [tilespmem:s24+$0x50]  }
0x5c: {  	v6 =	vmul.f32 $5.656854150e+00, v3;
	v3 =	vld [tilespmem:s24+$0x60];
	[tilespmem:s24+$0xFFFFFFE0] =	vst v0  }
0x5d: {  	[tilespmem:s24+$0x0] =	vst v5;
	v5 =	vmul.f32 $5.656854150e+00, v4;
	v4 =	vld [tilespmem:s24+$0x70]  }
0x5e: {  	s6 =	simm.s32 $0x0;
	s25 =	simm.s32 $0xCB80;
	v0 =	vld [tilespmem:s24+$0xFFFFFFF0];
	[tilespmem:s24+$0x10] =	vst v6;
	v6 =	vmul.f32 $5.656854150e+00, v7  }
.LBB2_10:
0x5f: {  	v7 =	vld [tilespmem:s25+$0xFFFFFF80];
	[tilespmem:s24+$0x20] =	vst v5;
	v1 =	vmul.f32 $5.656854150e+00, v1  }
0x60: {  	v5 =	vld [tilespmem:s25+$0xFFFFFF90];
	[tilespmem:s24+$0x30] =	vst v6;
	v2 =	vmul.f32 $5.656854150e+00, v2  }
0x61: {  	v6 =	vld [tilespmem:s25+$0xFFFFFFA0];
	[tilespmem:s24+$0x40] =	vst v1;
	v1 =	vmul.f32 $5.656854150e+00, v3  }
0x62: {  	v3 =	vld [tilespmem:s25+$0xFFFFFFB0];
	[tilespmem:s24+$0x50] =	vst v2;
	v2 =	vmul.f32 $5.656854150e+00, v4  }
0x63: {  	v4 =	vld [tilespmem:s25+$0xFFFFFFC0];
	v0 =	vmul.f32 $5.656854150e+00, v0;
	[tilespmem:s24+$0x60] =	vst v1  }
0x64: {  	v1 =	vmul.f32 $5.656854150e+00, v7;
	v7 =	vld [tilespmem:s25+$0xFFFFFFD0];
	[tilespmem:s24+$0x70] =	vst v2  }
0x65: {  	v2 =	vmul.f32 $5.656854150e+00, v5;
	v5 =	vld [tilespmem:s25+$0xFFFFFFE0];
	[tilespmem:s24+$0xFFFFFFF0] =	vst v0;
	s24 =	smov.u32 s25  }
0x66: {  	[tilespmem:s25+$0xFFFFFF80] =	vst v1;
	v0 =	vmul.f32 $5.656854150e+00, v6;
	v6 =	vld [tilespmem:s25+$0x0]  }
0x67: {  	[tilespmem:s25+$0xFFFFFF90] =	vst v2;
	v1 =	vmul.f32 $5.656854150e+00, v3;
	v3 =	vld [tilespmem:s25+$0x10]  }
0x68: {  	s6 =	sadd.s32 $0x8, s6;
	[tilespmem:s25+$0xFFFFFFA0] =	vst v0;
	v0 =	vmul.f32 $5.656854150e+00, v4;
	v4 =	vld [tilespmem:s25+$0x20]  }
0x69: {  	p1 =	slt.u32 s6, $0x1F8;
	[tilespmem:s25+$0xFFFFFFB0] =	vst v1;
	v2 =	vmul.f32 $5.656854150e+00, v7;
	v7 =	vld [tilespmem:s25+$0x30]  }
.Ltmp5:
0x6a: {  	[tilespmem:s25+$0xFFFFFFC0] =	vst v0;
	v0 =	vmul.f32 $5.656854150e+00, v5;
	v1 =	vld [tilespmem:s25+$0x40];
	(pc) =	sbr.rel @p1 .LBB2_10-.Ltmp5, $4  }
0x6b: {  	[tilespmem:s25+$0xFFFFFFD0] =	vst v2;
	v5 =	vmul.f32 $5.656854150e+00, v6;
	v2 =	vld [tilespmem:s25+$0x50]  }
0x6c: {  	[tilespmem:s25+$0xFFFFFFE0] =	vst v0;
	v6 =	vmul.f32 $5.656854150e+00, v3;
	v3 =	vld [tilespmem:s25+$0x60]  }
0x6d: {  	[tilespmem:s25+$0x0] =	vst v5;
	v5 =	vmul.f32 $5.656854150e+00, v4;
	v4 =	vld [tilespmem:s25+$0x70]  }
0x6e: {  	s25 =	sadd.s32 $0x100, s25;
	v0 =	vld [tilespmem:s24+$0xFFFFFFF0];
	[tilespmem:s24+$0x10] =	vst v6;
	v6 =	vmul.f32 $5.656854150e+00, v7  }
0x6f: {  	[tilespmem:s24+$0x20] =	vst v5;
	v1 =	vmul.f32 $5.656854150e+00, v1  }
0x70: {  	s6 =	smul.u32 $0xA00, s1;
	[tilespmem:s24+$0x30] =	vst v6;
	v2 =	vmul.f32 $5.656854150e+00, v2  }
0x71: {  	[tilespmem:s24+$0x40] =	vst v1;
	v62 =	vmul.f32 $5.656854150e+00, v3  }
.Ltmp6:
0x72: {  	s6 =	sadd.s32 s6, s13;
	[tilespmem:s24+$0x50] =	vst v2;
	v63 =	vmul.f32 $5.656854150e+00, v4;
	(pc) =	sbr.rel @p0 .LBB2_6-.Ltmp6, $4  }
0x73: {  	s6 =	sshll.u32 s6, $0x2;
	v0 =	vmul.f32 $5.656854150e+00, v0;
	[tilespmem:s24+$0x60] =	vst v62  }
0x74: {  	s6 =	sand.u32 $0x1FFFF800, s6;
	[tilespmem:s24+$0x70] =	vst v63  }
0x75: {  	s6 =	sadd.s32 s2, s6;
	[tilespmem:s24+$0xFFFFFFF0] =	vst v0  }
0x76: {  	[hbm4b:s6+s3] =	stream.linear.scatter [tilespmem:s28], [sflag:$0xE], $0x4000, $0x38;
	[tilespmem:$0x14A00] =	vst v63  }
.Ltmp7:
0x77: {  	(pc) =	sbr.rel .LBB2_14-.Ltmp7, $4  }
0x78: {  	_ = 	snop  }
0x79: {  	_ =	swait.ge [sflag:s29], $0x4000  }
0x7a: {  	[sflag:s29] =	ssyncset.done $0x0  }
0x7b: {  	[sflag:s29] =	ssyncadd.s32 $0xFFFFC000  }
.LBB2_5:
0x7c: {  	s6 =	simm.s32 $0xA00  }
0x7d: {  	[tilespmem:s6], [sflag:$0x6] =	stream.indirect.gather [hbm4b:s7+s22], $0x20, s3, s22, $0xb8;
	[tilespmem:$0x14A00] =	vst v63  }
.LBB2_6:
0x7e: {  	p0 =	sne.s32 s1, $0x0  }
.Ltmp8:
0x7f: {  	_ = 	snop;
	(pc) =	sbr.rel @!p0 .LBB2_7-.Ltmp8, $4  }
0x80: {  	_ = 	snop  }
0x81: {  	_ =	swait.ge [sflag:s23], $0x200  }
0x82: {  	[sflag:s23] =	ssyncset.done $0x0  }
0x83: {  	[sflag:s23] =	ssyncadd.s32 $0xFFFFFE00  }
0x84: {  	s6 =	simm.s32 $0xC  }
0x85: {  	_ =	swait.ge [sflag:s6], $0x4000  }
0x86: {  	[sflag:s6] =	ssyncset.done $0x0  }
0x87: {  	[sflag:s6] =	ssyncadd.s32 $0xFFFFC000  }
0x88: {  	[tilespmem:s9], [sflag:$0x7] =	stream.indirect.gather [hbm4b:s7+s22], $0x20, s22, s22, $0xb8;
	[tilespmem:$0x14A00] =	vst v63  }
0x89: {  	s25 =	smul.u32 $0xA00, s1;
	_ =	swait.ge [sflag:s29], $0x4000  }
0x8a: {  	s24 =	rddreg [dreg:$0x9]  }
0x8b: {  	s6 =	sadd.s32 s25, s24  }
0x8c: {  	[sflag:s29] =	ssyncset.done $0x0;
	s6 =	sshrl.u32 s6, $0x3  }
0x8d: {  	s31 =	simm.s32 $0x800;
	[sflag:s29] =	ssyncadd.s32 $0xFFFFC000;
	s6 =	sadd.s32 s5, s6  }
0x8e: {  	[tilespmem:s31], [sflag:$0x5] =	stream.linear.gather [hbm4b:s6+s3], $0x200, $0x38;
	[tilespmem:$0x14A00] =	vst v63  }
.LBB2_14:
0x8f: {  	s24 =	simm.s32 $0x10A80  }
0x90: {  	v0 =	vld [tilespmem:s24+$0xFFFFFF80]  }
0x91: {  	v1 =	vld [tilespmem:s24+$0xFFFFFF90]  }
0x92: {  	v2 =	vld [tilespmem:s24+$0xFFFFFFA0]  }
0x93: {  	v3 =	vld [tilespmem:s24+$0xFFFFFFB0]  }
0x94: {  	v4 =	vld [tilespmem:s24+$0xFFFFFFC0]  }
0x95: {  	v5 =	vld [tilespmem:s24+$0xFFFFFFD0];
	v0 =	vmul.f32 $5.656854150e+00, v0  }
0x96: {  	v6 =	vld [tilespmem:s24+$0xFFFFFFE0];
	v1 =	vmul.f32 $5.656854150e+00, v1  }
0x97: {  	[tilespmem:s24+$0xFFFFFF80] =	vst v0;
	v0 =	vmul.f32 $5.656854150e+00, v2;
	v2 =	vld [tilespmem:s24+$0x0]  }
0x98: {  	[tilespmem:s24+$0xFFFFFF90] =	vst v1;
	v1 =	vmul.f32 $5.656854150e+00, v3;
	v3 =	vld [tilespmem:s24+$0x10]  }
0x99: {  	[tilespmem:s24+$0xFFFFFFA0] =	vst v0;
	v0 =	vmul.f32 $5.656854150e+00, v4;
	v4 =	vld [tilespmem:s24+$0x20]  }
0x9a: {  	v7 =	vld [tilespmem:s24+$0x30];
	v5 =	vmul.f32 $5.656854150e+00, v5;
	[tilespmem:s24+$0xFFFFFFB0] =	vst v1  }
0x9b: {  	v1 =	vld [tilespmem:s24+$0x40];
	[tilespmem:s24+$0xFFFFFFC0] =	vst v0;
	v0 =	vmul.f32 $5.656854150e+00, v6  }
0x9c: {  	[tilespmem:s24+$0xFFFFFFD0] =	vst v5;
	v5 =	vmul.f32 $5.656854150e+00, v2;
	v2 =	vld [tilespmem:s24+$0x50]  }
0x9d: {  	v6 =	vmul.f32 $5.656854150e+00, v3;
	v3 =	vld [tilespmem:s24+$0x60];
	[tilespmem:s24+$0xFFFFFFE0] =	vst v0  }
0x9e: {  	[tilespmem:s24+$0x0] =	vst v5;
	v5 =	vmul.f32 $5.656854150e+00, v4;
	v4 =	vld [tilespmem:s24+$0x70]  }
0x9f: {  	s6 =	simm.s32 $0x0;
	s25 =	simm.s32 $0x10B80;
	v0 =	vld [tilespmem:s24+$0xFFFFFFF0];
	[tilespmem:s24+$0x10] =	vst v6;
	v6 =	vmul.f32 $5.656854150e+00, v7  }
.LBB2_15:
0xa0: {  	v7 =	vld [tilespmem:s25+$0xFFFFFF80];
	[tilespmem:s24+$0x20] =	vst v5;
	v1 =	vmul.f32 $5.656854150e+00, v1  }
0xa1: {  	v5 =	vld [tilespmem:s25+$0xFFFFFF90];
	[tilespmem:s24+$0x30] =	vst v6;
	v2 =	vmul.f32 $5.656854150e+00, v2  }
0xa2: {  	v6 =	vld [tilespmem:s25+$0xFFFFFFA0];
	[tilespmem:s24+$0x40] =	vst v1;
	v1 =	vmul.f32 $5.656854150e+00, v3  }
0xa3: {  	v3 =	vld [tilespmem:s25+$0xFFFFFFB0];
	[tilespmem:s24+$0x50] =	vst v2;
	v2 =	vmul.f32 $5.656854150e+00, v4  }
0xa4: {  	v4 =	vld [tilespmem:s25+$0xFFFFFFC0];
	v0 =	vmul.f32 $5.656854150e+00, v0;
	[tilespmem:s24+$0x60] =	vst v1  }
0xa5: {  	v1 =	vmul.f32 $5.656854150e+00, v7;
	v7 =	vld [tilespmem:s25+$0xFFFFFFD0];
	[tilespmem:s24+$0x70] =	vst v2  }
0xa6: {  	v2 =	vmul.f32 $5.656854150e+00, v5;
	v5 =	vld [tilespmem:s25+$0xFFFFFFE0];
	[tilespmem:s24+$0xFFFFFFF0] =	vst v0;
	s24 =	smov.u32 s25  }
0xa7: {  	[tilespmem:s25+$0xFFFFFF80] =	vst v1;
	v0 =	vmul.f32 $5.656854150e+00, v6;
	v6 =	vld [tilespmem:s25+$0x0]  }
0xa8: {  	[tilespmem:s25+$0xFFFFFF90] =	vst v2;
	v1 =	vmul.f32 $5.656854150e+00, v3;
	v3 =	vld [tilespmem:s25+$0x10]  }
0xa9: {  	s6 =	sadd.s32 $0x8, s6;
	[tilespmem:s25+$0xFFFFFFA0] =	vst v0;
	v0 =	vmul.f32 $5.656854150e+00, v4;
	v4 =	vld [tilespmem:s25+$0x20]  }
0xaa: {  	p0 =	slt.u32 s6, $0x1F8;
	[tilespmem:s25+$0xFFFFFFB0] =	vst v1;
	v2 =	vmul.f32 $5.656854150e+00, v7;
	v7 =	vld [tilespmem:s25+$0x30]  }
.Ltmp9:
0xab: {  	[tilespmem:s25+$0xFFFFFFC0] =	vst v0;
	v0 =	vmul.f32 $5.656854150e+00, v5;
	v1 =	vld [tilespmem:s25+$0x40];
	(pc) =	sbr.rel @p0 .LBB2_15-.Ltmp9, $4  }
0xac: {  	[tilespmem:s25+$0xFFFFFFD0] =	vst v2;
	v5 =	vmul.f32 $5.656854150e+00, v6;
	v2 =	vld [tilespmem:s25+$0x50]  }
0xad: {  	[tilespmem:s25+$0xFFFFFFE0] =	vst v0;
	v6 =	vmul.f32 $5.656854150e+00, v3;
	v3 =	vld [tilespmem:s25+$0x60]  }
0xae: {  	[tilespmem:s25+$0x0] =	vst v5;
	v5 =	vmul.f32 $5.656854150e+00, v4;
	v4 =	vld [tilespmem:s25+$0x70]  }
0xaf: {  	s25 =	sadd.s32 $0x100, s25;
	v0 =	vld [tilespmem:s24+$0xFFFFFFF0];
	[tilespmem:s24+$0x10] =	vst v6;
	v6 =	vmul.f32 $5.656854150e+00, v7  }
0xb0: {  	[tilespmem:s24+$0x20] =	vst v5;
	v1 =	vmul.f32 $5.656854150e+00, v1  }
0xb1: {  	s6 =	smul.u32 $0xA00, s1;
	[tilespmem:s24+$0x30] =	vst v6;
	v2 =	vmul.f32 $5.656854150e+00, v2  }
0xb2: {  	p0 =	seq.s32 s1, $0x28;
	[tilespmem:s24+$0x40] =	vst v1;
	v62 =	vmul.f32 $5.656854150e+00, v3  }
.Ltmp10:
0xb3: {  	s6 =	sadd.s32 s6, s15;
	[tilespmem:s24+$0x50] =	vst v2;
	v63 =	vmul.f32 $5.656854150e+00, v4;
	(pc) =	sbr.rel @!p0 .LBB2_17-.Ltmp10, $4  }
.Ltmp11:
0xb4: {  	s6 =	sshll.u32 s6, $0x2;
	v0 =	vmul.f32 $5.656854150e+00, v0;
	[tilespmem:s24+$0x60] =	vst v62;
	(pc) =	sbr.rel @p0 .LBB2_24-.Ltmp11, $4  }
0xb5: {  	s6 =	sand.u32 $0x1FFFF800, s6;
	[tilespmem:s24+$0x70] =	vst v63  }
0xb6: {  	s6 =	sadd.s32 s2, s6;
	[tilespmem:s24+$0xFFFFFFF0] =	vst v0  }
0xb7: {  	[hbm4b:s6+s3] =	stream.linear.scatter [tilespmem:s30], [sflag:$0xF], $0x4000, $0x38;
	[tilespmem:$0x14A00] =	vst v63  }
0xb8: {  	_ = 	snop  }
.LBB2_7:
0xb9: {  	[tilespmem:s9], [sflag:$0x7] =	stream.indirect.gather [hbm4b:s7+s22], $0x20, s22, s22, $0xb8;
	[tilespmem:$0x14A00] =	vst v63  }
.LBB2_17:
0xba: {  	_ =	swait.ge [sflag:s10], $0x200  }
0xbb: {  	p1 =	seq.s32 s1, $0x0;
	[sflag:s10] =	ssyncset.done $0x0  }
0xbc: {  	s6 =	simm.s32 @!p1 $0xD;
	[sflag:s10] =	ssyncadd.s32 $0xFFFFFE00  }
0xbd: {  	_ =	swait.ge @!p1 [sflag:s6], $0x4000  }
0xbe: {  	p0 =	sgt.u32 s1, $0x26;
	[sflag:s6] =	ssyncset.done @!p1 $0x0  }
0xbf: {  	s24 =	simm.s32 $0x400;
	[sflag:s6] =	ssyncadd.s32 @!p1 $0xFFFFC000;
	s6 =	smul.u32 @!p0 $0xA00, s1  }
0xc0: {  	[tilespmem:s11], [sflag:$0x8] =	stream.indirect.gather [hbm4b:s7+s22], $0x20, s24, s22, $0xb8;
	[tilespmem:$0x14A00] =	vst v63  }
0xc1: {  	_ =	swait.ge [sflag:s21], $0x4000;
	s6 =	sadd.s32 @!p0 s6, s16  }
0xc2: {  	s25 =	simm.s32 $0xA80;
	[sflag:s21] =	ssyncset.done $0x0;
	s6 =	sshrl.u32 @!p0 s6, $0x3  }
0xc3: {  	s24 =	simm.s32 @!p0 $0x0;
	[sflag:s21] =	ssyncadd.s32 $0xFFFFC000;
	s6 =	sadd.s32 @!p0 s5, s6  }
0xc4: {  	[tilespmem:s24], [sflag:$0x1] =	stream.linear.gather @!p0 [hbm4b:s6+s24], $0x200, $0x38;
	[tilespmem:$0x14A00] =	vst v63  }
0xc5: {  	v0 =	vld [tilespmem:s25+$0xFFFFFF80]  }
0xc6: {  	v1 =	vld [tilespmem:s25+$0xFFFFFF90]  }
0xc7: {  	v2 =	vld [tilespmem:s25+$0xFFFFFFA0]  }
0xc8: {  	v3 =	vld [tilespmem:s25+$0xFFFFFFB0]  }
0xc9: {  	v4 =	vld [tilespmem:s25+$0xFFFFFFC0]  }
0xca: {  	v5 =	vld [tilespmem:s25+$0xFFFFFFD0];
	v0 =	vmul.f32 $5.656854150e+00, v0  }
0xcb: {  	v6 =	vld [tilespmem:s25+$0xFFFFFFE0];
	v1 =	vmul.f32 $5.656854150e+00, v1  }
0xcc: {  	[tilespmem:s25+$0xFFFFFF80] =	vst v0;
	v0 =	vmul.f32 $5.656854150e+00, v2;
	v2 =	vld [tilespmem:s25+$0x0]  }
0xcd: {  	[tilespmem:s25+$0xFFFFFF90] =	vst v1;
	v1 =	vmul.f32 $5.656854150e+00, v3;
	v3 =	vld [tilespmem:s25+$0x10]  }
0xce: {  	[tilespmem:s25+$0xFFFFFFA0] =	vst v0;
	v0 =	vmul.f32 $5.656854150e+00, v4;
	v4 =	vld [tilespmem:s25+$0x20]  }
0xcf: {  	v7 =	vld [tilespmem:s25+$0x30];
	[tilespmem:s25+$0xFFFFFFB0] =	vst v1;
	v1 =	vmul.f32 $5.656854150e+00, v5  }
0xd0: {  	v5 =	vmul.f32 $5.656854150e+00, v6;
	[tilespmem:s25+$0xFFFFFFC0] =	vst v0;
	v0 =	vld [tilespmem:s25+$0x40]  }
0xd1: {  	[tilespmem:s25+$0xFFFFFFD0] =	vst v1;
	v1 =	vmul.f32 $5.656854150e+00, v2;
	v2 =	vld [tilespmem:s25+$0x50]  }
0xd2: {  	[tilespmem:s25+$0xFFFFFFE0] =	vst v5;
	v6 =	vmul.f32 $5.656854150e+00, v3;
	v3 =	vld [tilespmem:s25+$0x60]  }
0xd3: {  	[tilespmem:s25+$0x0] =	vst v1;
	v5 =	vmul.f32 $5.656854150e+00, v4;
	v4 =	vld [tilespmem:s25+$0x70]  }
0xd4: {  	s6 =	simm.s32 $0x0;
	s24 =	simm.s32 $0xB80;
	v1 =	vld [tilespmem:s25+$0xFFFFFFF0];
	[tilespmem:s25+$0x10] =	vst v6;
	v6 =	vmul.f32 $5.656854150e+00, v7  }
.LBB2_18:
0xd5: {  	v7 =	vld [tilespmem:s24+$0xFFFFFF80];
	[tilespmem:s25+$0x20] =	vst v5;
	v0 =	vmul.f32 $5.656854150e+00, v0  }
0xd6: {  	v5 =	vld [tilespmem:s24+$0xFFFFFF90];
	[tilespmem:s25+$0x30] =	vst v6;
	v2 =	vmul.f32 $5.656854150e+00, v2  }
0xd7: {  	v6 =	vld [tilespmem:s24+$0xFFFFFFA0];
	[tilespmem:s25+$0x40] =	vst v0;
	v0 =	vmul.f32 $5.656854150e+00, v3  }
0xd8: {  	v3 =	vld [tilespmem:s24+$0xFFFFFFB0];
	[tilespmem:s25+$0x50] =	vst v2;
	v2 =	vmul.f32 $5.656854150e+00, v4  }
0xd9: {  	v4 =	vld [tilespmem:s24+$0xFFFFFFC0];
	v1 =	vmul.f32 $5.656854150e+00, v1;
	[tilespmem:s25+$0x60] =	vst v0  }
0xda: {  	v0 =	vmul.f32 $5.656854150e+00, v7;
	v7 =	vld [tilespmem:s24+$0xFFFFFFD0];
	[tilespmem:s25+$0x70] =	vst v2  }
0xdb: {  	v2 =	vmul.f32 $5.656854150e+00, v5;
	v5 =	vld [tilespmem:s24+$0xFFFFFFE0];
	[tilespmem:s25+$0xFFFFFFF0] =	vst v1;
	s25 =	smov.u32 s24  }
0xdc: {  	[tilespmem:s24+$0xFFFFFF80] =	vst v0;
	v0 =	vmul.f32 $5.656854150e+00, v6;
	v1 =	vld [tilespmem:s24+$0x0]  }
0xdd: {  	[tilespmem:s24+$0xFFFFFF90] =	vst v2;
	v2 =	vmul.f32 $5.656854150e+00, v3;
	v3 =	vld [tilespmem:s24+$0x10]  }
0xde: {  	s6 =	sadd.s32 $0x8, s6;
	[tilespmem:s24+$0xFFFFFFA0] =	vst v0;
	v0 =	vmul.f32 $5.656854150e+00, v4;
	v4 =	vld [tilespmem:s24+$0x20]  }
0xdf: {  	p2 =	slt.u32 s6, $0x1F8;
	[tilespmem:s24+$0xFFFFFFB0] =	vst v2;
	v2 =	vmul.f32 $5.656854150e+00, v7;
	v6 =	vld [tilespmem:s24+$0x30]  }
.Ltmp12:
0xe0: {  	[tilespmem:s24+$0xFFFFFFC0] =	vst v0;
	v5 =	vmul.f32 $5.656854150e+00, v5;
	v0 =	vld [tilespmem:s24+$0x40];
	(pc) =	sbr.rel @p2 .LBB2_18-.Ltmp12, $4  }
0xe1: {  	[tilespmem:s24+$0xFFFFFFD0] =	vst v2;
	v1 =	vmul.f32 $5.656854150e+00, v1;
	v2 =	vld [tilespmem:s24+$0x50]  }
0xe2: {  	[tilespmem:s24+$0xFFFFFFE0] =	vst v5;
	v7 =	vmul.f32 $5.656854150e+00, v3;
	v3 =	vld [tilespmem:s24+$0x60]  }
0xe3: {  	[tilespmem:s24+$0x0] =	vst v1;
	v5 =	vmul.f32 $5.656854150e+00, v4;
	v4 =	vld [tilespmem:s24+$0x70]  }
0xe4: {  	s24 =	sadd.s32 $0x100, s24;
	v1 =	vld [tilespmem:s25+$0xFFFFFFF0];
	[tilespmem:s25+$0x10] =	vst v7;
	v6 =	vmul.f32 $5.656854150e+00, v6  }
0xe5: {  	[tilespmem:s25+$0x20] =	vst v5;
	v0 =	vmul.f32 $5.656854150e+00, v0  }
0xe6: {  	[tilespmem:s25+$0x30] =	vst v6;
	v2 =	vmul.f32 $5.656854150e+00, v2  }
0xe7: {  	s24 =	smul.u32 $0xA00, s1;
	[tilespmem:s25+$0x40] =	vst v0;
	v0 =	vmul.f32 $5.656854150e+00, v3  }
0xe8: {  	[tilespmem:s25+$0x50] =	vst v2;
	v2 =	vmul.f32 $5.656854150e+00, v4  }
0xe9: {  	s6 =	sadd.s32 s4, s24;
	v1 =	vmul.f32 $5.656854150e+00, v1;
	[tilespmem:s25+$0x60] =	vst v0  }
0xea: {  	s6 =	sshll.u32 s6, $0x2;
	[tilespmem:s25+$0x70] =	vst v2  }
0xeb: {  	s6 =	sadd.s32 s2, s6;
	[tilespmem:s25+$0xFFFFFFF0] =	vst v1;
	s25 =	simm.s32 $0xA00  }
0xec: {  	[hbm4b:s6+s3] =	stream.linear.scatter [tilespmem:s25], [sflag:$0xB], $0x4000, $0x38;
	[tilespmem:$0x14A00] =	vst v63  }
0xed: {  	_ =	swait.ge [sflag:s0], $0x200  }
0xee: {  	[sflag:s0] =	ssyncset.done $0x0  }
0xef: {  	s6 =	simm.s32 @!p1 $0xE;
	[sflag:s0] =	ssyncadd.s32 $0xFFFFFE00  }
0xf0: {  	_ =	swait.ge @!p1 [sflag:s6], $0x4000  }
0xf1: {  	[sflag:s6] =	ssyncset.done @!p1 $0x0  }
0xf2: {  	s25 =	simm.s32 $0x600;
	[sflag:s6] =	ssyncadd.s32 @!p1 $0xFFFFC000  }
0xf3: {  	[tilespmem:s28], [sflag:$0x9] =	stream.indirect.gather [hbm4b:s7+s22], $0x20, s25, s22, $0xb8;
	[tilespmem:$0x14A00] =	vst v63  }
0xf4: {  	s6 =	sadd.s32 @!p0 s24, s17;
	_ =	swait.ge [sflag:s8], $0x4000  }
0xf5: {  	s31 =	simm.s32 @!p0 $0x200;
	s6 =	sshrl.u32 @!p0 s6, $0x3;
	[sflag:s8] =	ssyncset.done $0x0  }
0xf6: {  	s25 =	simm.s32 @!p0 $0x0;
	s6 =	sadd.s32 @!p0 s5, s6;
	[sflag:s8] =	ssyncadd.s32 $0xFFFFC000  }
0xf7: {  	[tilespmem:s31], [sflag:$0x2] =	stream.linear.gather @!p0 [hbm4b:s6+s25], $0x200, $0x38;
	[tilespmem:$0x14A00] =	vst v63  }
0xf8: {  	s6 =	simm.s32 $0x4A80  }
0xf9: {  	v0 =	vld [tilespmem:s6+$0xFFFFFF80]  }
0xfa: {  	v1 =	vld [tilespmem:s6+$0xFFFFFF90]  }
0xfb: {  	v2 =	vld [tilespmem:s6+$0xFFFFFFA0]  }
0xfc: {  	v3 =	vld [tilespmem:s6+$0xFFFFFFB0]  }
0xfd: {  	v4 =	vld [tilespmem:s6+$0xFFFFFFC0]  }
0xfe: {  	v5 =	vld [tilespmem:s6+$0xFFFFFFD0];
	v0 =	vmul.f32 $5.656854150e+00, v0  }
0xff: {  	v6 =	vld [tilespmem:s6+$0xFFFFFFE0];
	v1 =	vmul.f32 $5.656854150e+00, v1  }
0x100: {  	[tilespmem:s6+$0xFFFFFF80] =	vst v0;
	v0 =	vmul.f32 $5.656854150e+00, v2;
	v2 =	vld [tilespmem:s6+$0x0]  }
0x101: {  	[tilespmem:s6+$0xFFFFFF90] =	vst v1;
	v1 =	vmul.f32 $5.656854150e+00, v3;
	v3 =	vld [tilespmem:s6+$0x10]  }
0x102: {  	[tilespmem:s6+$0xFFFFFFA0] =	vst v0;
	v0 =	vmul.f32 $5.656854150e+00, v4;
	v4 =	vld [tilespmem:s6+$0x20]  }
0x103: {  	v7 =	vld [tilespmem:s6+$0x30];
	[tilespmem:s6+$0xFFFFFFB0] =	vst v1;
	v1 =	vmul.f32 $5.656854150e+00, v5  }
0x104: {  	v5 =	vmul.f32 $5.656854150e+00, v6;
	[tilespmem:s6+$0xFFFFFFC0] =	vst v0;
	v0 =	vld [tilespmem:s6+$0x40]  }
0x105: {  	[tilespmem:s6+$0xFFFFFFD0] =	vst v1;
	v1 =	vmul.f32 $5.656854150e+00, v2;
	v2 =	vld [tilespmem:s6+$0x50]  }
0x106: {  	[tilespmem:s6+$0xFFFFFFE0] =	vst v5;
	v6 =	vmul.f32 $5.656854150e+00, v3;
	v3 =	vld [tilespmem:s6+$0x60]  }
0x107: {  	[tilespmem:s6+$0x0] =	vst v1;
	v5 =	vmul.f32 $5.656854150e+00, v4;
	v4 =	vld [tilespmem:s6+$0x70]  }
0x108: {  	s25 =	simm.s32 $0x0;
	s31 =	simm.s32 $0x4B80;
	v1 =	vld [tilespmem:s6+$0xFFFFFFF0];
	[tilespmem:s6+$0x10] =	vst v6;
	v6 =	vmul.f32 $5.656854150e+00, v7  }
.LBB2_20:
0x109: {  	v7 =	vld [tilespmem:s31+$0xFFFFFF80];
	[tilespmem:s6+$0x20] =	vst v5;
	v0 =	vmul.f32 $5.656854150e+00, v0  }
0x10a: {  	v5 =	vld [tilespmem:s31+$0xFFFFFF90];
	[tilespmem:s6+$0x30] =	vst v6;
	v2 =	vmul.f32 $5.656854150e+00, v2  }
0x10b: {  	v6 =	vld [tilespmem:s31+$0xFFFFFFA0];
	[tilespmem:s6+$0x40] =	vst v0;
	v0 =	vmul.f32 $5.656854150e+00, v3  }
0x10c: {  	v3 =	vld [tilespmem:s31+$0xFFFFFFB0];
	[tilespmem:s6+$0x50] =	vst v2;
	v2 =	vmul.f32 $5.656854150e+00, v4  }
0x10d: {  	v4 =	vld [tilespmem:s31+$0xFFFFFFC0];
	v1 =	vmul.f32 $5.656854150e+00, v1;
	[tilespmem:s6+$0x60] =	vst v0  }
0x10e: {  	v0 =	vmul.f32 $5.656854150e+00, v7;
	v7 =	vld [tilespmem:s31+$0xFFFFFFD0];
	[tilespmem:s6+$0x70] =	vst v2  }
0x10f: {  	v2 =	vmul.f32 $5.656854150e+00, v5;
	v5 =	vld [tilespmem:s31+$0xFFFFFFE0];
	[tilespmem:s6+$0xFFFFFFF0] =	vst v1;
	s6 =	smov.u32 s31  }
0x110: {  	[tilespmem:s31+$0xFFFFFF80] =	vst v0;
	v0 =	vmul.f32 $5.656854150e+00, v6;
	v1 =	vld [tilespmem:s31+$0x0]  }
0x111: {  	[tilespmem:s31+$0xFFFFFF90] =	vst v2;
	v2 =	vmul.f32 $5.656854150e+00, v3;
	v3 =	vld [tilespmem:s31+$0x10]  }
0x112: {  	s25 =	sadd.s32 $0x8, s25;
	[tilespmem:s31+$0xFFFFFFA0] =	vst v0;
	v0 =	vmul.f32 $5.656854150e+00, v4;
	v4 =	vld [tilespmem:s31+$0x20]  }
0x113: {  	p2 =	slt.u32 s25, $0x1F8;
	[tilespmem:s31+$0xFFFFFFB0] =	vst v2;
	v2 =	vmul.f32 $5.656854150e+00, v7;
	v6 =	vld [tilespmem:s31+$0x30]  }
.Ltmp13:
0x114: {  	[tilespmem:s31+$0xFFFFFFC0] =	vst v0;
	v5 =	vmul.f32 $5.656854150e+00, v5;
	v0 =	vld [tilespmem:s31+$0x40];
	(pc) =	sbr.rel @p2 .LBB2_20-.Ltmp13, $4  }
0x115: {  	[tilespmem:s31+$0xFFFFFFD0] =	vst v2;
	v1 =	vmul.f32 $5.656854150e+00, v1;
	v2 =	vld [tilespmem:s31+$0x50]  }
0x116: {  	[tilespmem:s31+$0xFFFFFFE0] =	vst v5;
	v7 =	vmul.f32 $5.656854150e+00, v3;
	v3 =	vld [tilespmem:s31+$0x60]  }
0x117: {  	[tilespmem:s31+$0x0] =	vst v1;
	v5 =	vmul.f32 $5.656854150e+00, v4;
	v4 =	vld [tilespmem:s31+$0x70]  }
0x118: {  	s31 =	sadd.s32 $0x100, s31;
	v1 =	vld [tilespmem:s6+$0xFFFFFFF0];
	[tilespmem:s6+$0x10] =	vst v7;
	v6 =	vmul.f32 $5.656854150e+00, v6  }
0x119: {  	[tilespmem:s6+$0x20] =	vst v5;
	v0 =	vmul.f32 $5.656854150e+00, v0  }
0x11a: {  	[tilespmem:s6+$0x30] =	vst v6;
	v2 =	vmul.f32 $5.656854150e+00, v2  }
0x11b: {  	s25 =	smul.u32 $0x14000, s1;
	[tilespmem:s6+$0x40] =	vst v0;
	v0 =	vmul.f32 $5.656854150e+00, v3  }
0x11c: {  	[tilespmem:s6+$0x50] =	vst v2;
	v2 =	vmul.f32 $5.656854150e+00, v4  }
0x11d: {  	s31 =	sadd.s32 s18, s25;
	v1 =	vmul.f32 $5.656854150e+00, v1;
	[tilespmem:s6+$0x60] =	vst v0  }
0x11e: {  	s31 =	sshrl.u32 s31, $0x3;
	[tilespmem:s6+$0x70] =	vst v2  }
0x11f: {  	[tilespmem:s6+$0xFFFFFFF0] =	vst v1;
	s6 =	sadd.s32 s2, s31  }
0x120: {  	[hbm4b:s6+s3] =	stream.linear.scatter [tilespmem:s9], [sflag:$0xC], $0x4000, $0x38;
	[tilespmem:$0x14A00] =	vst v63  }
0x121: {  	_ =	swait.ge [sflag:s12], $0x200  }
0x122: {  	[sflag:s12] =	ssyncset.done $0x0  }
0x123: {  	s6 =	simm.s32 @!p1 $0xF;
	[sflag:s12] =	ssyncadd.s32 $0xFFFFFE00  }
0x124: {  	_ =	swait.ge @!p1 [sflag:s6], $0x4000  }
0x125: {  	[sflag:s6] =	ssyncset.done @!p1 $0x0  }
0x126: {  	[sflag:s6] =	ssyncadd.s32 @!p1 $0xFFFFC000;
	s6 =	simm.s32 $0x800  }
0x127: {  	[tilespmem:s30], [sflag:$0xA] =	stream.indirect.gather [hbm4b:s7+s22], $0x20, s6, s22, $0xb8;
	[tilespmem:$0x14A00] =	vst v63  }
0x128: {  	s6 =	sadd.s32 @!p0 s24, s19;
	_ =	swait.ge [sflag:s14], $0x4000  }
0x129: {  	s31 =	simm.s32 @!p0 $0x400;
	s6 =	sshrl.u32 @!p0 s6, $0x3;
	[sflag:s14] =	ssyncset.done $0x0  }
0x12a: {  	s24 =	simm.s32 @!p0 $0x0;
	s6 =	sadd.s32 @!p0 s5, s6;
	[sflag:s14] =	ssyncadd.s32 $0xFFFFC000  }
0x12b: {  	[tilespmem:s31], [sflag:$0x3] =	stream.linear.gather @!p0 [hbm4b:s6+s24], $0x200, $0x38;
	[tilespmem:$0x14A00] =	vst v63  }
0x12c: {  	s6 =	simm.s32 $0x8A80  }
0x12d: {  	v0 =	vld [tilespmem:s6+$0xFFFFFF80]  }
0x12e: {  	v1 =	vld [tilespmem:s6+$0xFFFFFF90]  }
0x12f: {  	v2 =	vld [tilespmem:s6+$0xFFFFFFA0]  }
0x130: {  	v3 =	vld [tilespmem:s6+$0xFFFFFFB0]  }
0x131: {  	v4 =	vld [tilespmem:s6+$0xFFFFFFC0]  }
0x132: {  	v5 =	vld [tilespmem:s6+$0xFFFFFFD0];
	v0 =	vmul.f32 $5.656854150e+00, v0  }
0x133: {  	v6 =	vld [tilespmem:s6+$0xFFFFFFE0];
	v1 =	vmul.f32 $5.656854150e+00, v1  }
0x134: {  	[tilespmem:s6+$0xFFFFFF80] =	vst v0;
	v0 =	vmul.f32 $5.656854150e+00, v2;
	v2 =	vld [tilespmem:s6+$0x0]  }
0x135: {  	[tilespmem:s6+$0xFFFFFF90] =	vst v1;
	v1 =	vmul.f32 $5.656854150e+00, v3;
	v3 =	vld [tilespmem:s6+$0x10]  }
0x136: {  	[tilespmem:s6+$0xFFFFFFA0] =	vst v0;
	v0 =	vmul.f32 $5.656854150e+00, v4;
	v4 =	vld [tilespmem:s6+$0x20]  }
0x137: {  	v7 =	vld [tilespmem:s6+$0x30];
	[tilespmem:s6+$0xFFFFFFB0] =	vst v1;
	v1 =	vmul.f32 $5.656854150e+00, v5  }
0x138: {  	v5 =	vmul.f32 $5.656854150e+00, v6;
	[tilespmem:s6+$0xFFFFFFC0] =	vst v0;
	v0 =	vld [tilespmem:s6+$0x40]  }
0x139: {  	[tilespmem:s6+$0xFFFFFFD0] =	vst v1;
	v1 =	vld [tilespmem:s6+$0x50];
	v2 =	vmul.f32 $5.656854150e+00, v2  }
0x13a: {  	[tilespmem:s6+$0xFFFFFFE0] =	vst v5;
	v6 =	vmul.f32 $5.656854150e+00, v3;
	v3 =	vld [tilespmem:s6+$0x60]  }
0x13b: {  	[tilespmem:s6+$0x0] =	vst v2;
	v5 =	vmul.f32 $5.656854150e+00, v4;
	v4 =	vld [tilespmem:s6+$0x70]  }
0x13c: {  	s24 =	simm.s32 $0x0;
	s31 =	simm.s32 $0x8B80;
	v2 =	vld [tilespmem:s6+$0xFFFFFFF0];
	[tilespmem:s6+$0x10] =	vst v6;
	v6 =	vmul.f32 $5.656854150e+00, v7  }
.LBB2_22:
0x13d: {  	v7 =	vld [tilespmem:s31+$0xFFFFFF80];
	[tilespmem:s6+$0x20] =	vst v5;
	v0 =	vmul.f32 $5.656854150e+00, v0  }
0x13e: {  	v5 =	vld [tilespmem:s31+$0xFFFFFF90];
	[tilespmem:s6+$0x30] =	vst v6;
	v1 =	vmul.f32 $5.656854150e+00, v1  }
0x13f: {  	v6 =	vld [tilespmem:s31+$0xFFFFFFA0];
	[tilespmem:s6+$0x40] =	vst v0;
	v0 =	vmul.f32 $5.656854150e+00, v3  }
0x140: {  	v3 =	vld [tilespmem:s31+$0xFFFFFFB0];
	[tilespmem:s6+$0x50] =	vst v1;
	v1 =	vmul.f32 $5.656854150e+00, v4  }
0x141: {  	v4 =	vld [tilespmem:s31+$0xFFFFFFC0];
	v2 =	vmul.f32 $5.656854150e+00, v2;
	[tilespmem:s6+$0x60] =	vst v0  }
0x142: {  	v0 =	vmul.f32 $5.656854150e+00, v7;
	v7 =	vld [tilespmem:s31+$0xFFFFFFD0];
	[tilespmem:s6+$0x70] =	vst v1  }
0x143: {  	v1 =	vmul.f32 $5.656854150e+00, v5;
	v5 =	vld [tilespmem:s31+$0xFFFFFFE0];
	[tilespmem:s6+$0xFFFFFFF0] =	vst v2;
	s6 =	smov.u32 s31  }
0x144: {  	[tilespmem:s31+$0xFFFFFF80] =	vst v0;
	v0 =	vmul.f32 $5.656854150e+00, v6;
	v2 =	vld [tilespmem:s31+$0x0]  }
0x145: {  	[tilespmem:s31+$0xFFFFFF90] =	vst v1;
	v1 =	vmul.f32 $5.656854150e+00, v3;
	v3 =	vld [tilespmem:s31+$0x10]  }
0x146: {  	s24 =	sadd.s32 $0x8, s24;
	[tilespmem:s31+$0xFFFFFFA0] =	vst v0;
	v0 =	vmul.f32 $5.656854150e+00, v4;
	v4 =	vld [tilespmem:s31+$0x20]  }
0x147: {  	p0 =	slt.u32 s24, $0x1F8;
	[tilespmem:s31+$0xFFFFFFB0] =	vst v1;
	v1 =	vmul.f32 $5.656854150e+00, v7;
	v6 =	vld [tilespmem:s31+$0x30]  }
.Ltmp14:
0x148: {  	[tilespmem:s31+$0xFFFFFFC0] =	vst v0;
	v5 =	vmul.f32 $5.656854150e+00, v5;
	v0 =	vld [tilespmem:s31+$0x40];
	(pc) =	sbr.rel @p0 .LBB2_22-.Ltmp14, $4  }
0x149: {  	[tilespmem:s31+$0xFFFFFFD0] =	vst v1;
	v2 =	vmul.f32 $5.656854150e+00, v2;
	v1 =	vld [tilespmem:s31+$0x50]  }
0x14a: {  	[tilespmem:s31+$0xFFFFFFE0] =	vst v5;
	v7 =	vmul.f32 $5.656854150e+00, v3;
	v3 =	vld [tilespmem:s31+$0x60]  }
0x14b: {  	[tilespmem:s31+$0x0] =	vst v2;
	v5 =	vmul.f32 $5.656854150e+00, v4;
	v4 =	vld [tilespmem:s31+$0x70]  }
0x14c: {  	s31 =	sadd.s32 $0x100, s31;
	v2 =	vld [tilespmem:s6+$0xFFFFFFF0];
	[tilespmem:s6+$0x10] =	vst v7;
	v6 =	vmul.f32 $5.656854150e+00, v6  }
0x14d: {  	[tilespmem:s6+$0x20] =	vst v5;
	v0 =	vmul.f32 $5.656854150e+00, v0  }
0x14e: {  	s1 =	sadd.s32 $0x1, s1;
	[tilespmem:s6+$0x30] =	vst v6;
	v1 =	vmul.f32 $5.656854150e+00, v1  }
0x14f: {  	p0 =	sne.s32 s1, $0x29;
	[tilespmem:s6+$0x40] =	vst v0;
	v62 =	vmul.f32 $5.656854150e+00, v3  }
.Ltmp15:
0x150: {  	[tilespmem:s6+$0x50] =	vst v1;
	v63 =	vmul.f32 $5.656854150e+00, v4;
	(pc) =	sbr.rel @p0 .LBB2_2-.Ltmp15, $4  }
.Ltmp16:
0x151: {  	s24 =	sadd.s32 s20, s25;
	v2 =	vmul.f32 $5.656854150e+00, v2;
	[tilespmem:s6+$0x60] =	vst v62;
	(pc) =	sbr.rel @!p0 .LBB2_24-.Ltmp16, $4  }
0x152: {  	s24 =	sshrl.u32 s24, $0x3;
	[tilespmem:s6+$0x70] =	vst v63  }
0x153: {  	s31 =	sadd.s32 s2, s24;
	[tilespmem:s6+$0xFFFFFFF0] =	vst v2  }
0x154: {  	[hbm4b:s31+s3] =	stream.linear.scatter [tilespmem:s11], [sflag:$0xD], $0x4000, $0x38;
	[tilespmem:$0x14A00] =	vst v63  }
0x155: {  	_ = 	snop  }
.LBB2_25:
0x156: {  	_ =	sfence.sel $0x180000  }
0x157: {  	[bflag:$0x0] =	sbarrier.arrive $0xFFFF  }
0x158: {  	_ =	strace $0x90000047  }
0x159: {  	s0 =	stileid.u32;
	[bflag:$0x2] =	sbarrier.arrive $0xFFFF  }
0x15a: {  	p0 =	sne.s32 s0, $0x0;
	s0 =	rddreg [dreg:$0x2]  }
0x15b: {  	s0 =	sadd.s32 @!p0 $0x100000, s0  }
0x15c: {  	[sflag:s0] =	ssyncadd.tile.s32 @!p0 $0x1;
	_ =	shalt  }
.Lfunc_end2:
_tile_overlayer_lowered:
.L_overlay_start_2:
0x15d: {  	(tag) =	ssettag $0x2  }
0x15e: {  	s0 =	rddreg [dreg:$0x0];
	s2 =	stileid.u32  }
0x15f: {  	s1 =	rddreg [dreg:$0x1];
	p0 =	sne.s32 s2, $0x0  }
0x160: {  	s3 =	rddreg [dreg:$0x2];
	[bflag:$0x3] =	sbarrier.arrive $0xFFFF;
	s2 =	simm.s32 @!p0 $0x1C10  }
0x161: {  	[timem:s3], [sflag:s2] =	dma.local @!p0 [hbm:s0], s1  }
0x162: {  	s0 =	simm.s32 @!p0 $0x10  }
0x163: {  	_ =	swait.ge @!p0 [sflag:s0], s1  }
0x164: {  	s1 =	ssub.s32 @!p0 $0x0, s1;
	[sflag:s0] =	ssyncset.done @!p0 $0x0  }
0x165: {  	[sflag:s0] =	ssyncadd.s32 @!p0 s1  }
0x166: {  	[bflag:$0x3] =	sbarrier.arrive $0xFFFF  }
0x167: {  	_ =	shalt  }

// kernel: sparse-core-data-format-call.cloned.1.call-start
scs
called_computation_lowered:
.L_overlay_start_0:
0x0: {  	s2 =	sld [smem:$0x3FD9]  }
0x1: {  	s3 =	sld [smem:$0x3FFE];
	_ =	sdelay $0x1  }
0x2: {  	s1 =	srdreg.scid  }
0x3: {  	s0 =	sand.u32 $0x1, s1  }
0x4: {  	s18 =	sshll.u32 s0, $0xA;
	s2 =	sadd.s32 s3, s2  }
0x5: {  	s2 =	sadd.s32 s2, s18  }
0x6: {  	[smem:$0x3FC6] =	sst s2  }
0x7: {  	_ = 	snop  }
0x8: {  	s2 =	sld [smem:$0x3FD0];
	(tm) =	ssettm $0x1  }
0x9: {  	s19 =	sld [smem:$0x3FFB];
	_ =	sdelay $0x3  }
0xa: {  	_ =	strace s19  }
0xb: {  	s3 =	sld [smem:$0x3FFC];
	_ =	sdelay $0x3  }
0xc: {  	_ =	strace s3  }
0xd: {  	s3 =	sld [smem:$0x3FFD];
	_ =	sdelay $0x3  }
0xe: {  	_ =	strace s3  }
0xf: {  	_ =	strace $0x8FFFFFFF  }
0x10: {  	s20 =	sld [smem:$0x3FDB];
	_ =	sdelay $0x1  }
0x11: {  	s4 =	simm.s32 $_scs_section_size  }
0x12: {  	s5 =	simm.s32 $_size__tile_overlayer_lowered;
	s6 =	simm.s32 $_tile_overlayer_lowered  }
0x13: {  	s23 =	simm.s32 $0x1BFF;
	s22 =	sshll.u32 s6, $0x1;
	s3 =	sadd.s32 s4, s20  }
0x14: {  	s7 =	simm.s32 $0x0;
	s21 =	sshll.u32 s5, $0x1;
	s5 =	sadd.s32 s22, s3  }
0x15: {  	[timem:s7], [sflag:s23] =	dma.local [hbm:s5], s21  }
0x16: {  	_ =	swait.ge [sflag:s23], s21  }
0x17: {  	s4 =	ssub.s32 $0x0, s21;
	[sflag:s23] =	ssyncset.done $0x0  }
0x18: {  	[sflag:s23] =	ssyncadd.s32 s4;
	_ =	sdelay $0x1  }
0x19: {  	s24 =	simm.s32 $0x1B8B  }
0x1a: {  	_ =	swait.ge [sflag:s24], $0x1  }
0x1b: {  	[sflag:s24] =	ssyncset.done $0x0  }
0x1c: {  	s26 =	simm.s32 $0x1B8E;
	s25 =	sld [smem:$0x3FFE];
	[sflag:s24] =	ssyncadd.s32 $0xFFFFFFFF  }
0x1d: {  	s27 =	simm.s32 $execute0_lowered;
	[smem:$0x3FD2] =	sst s26  }
0x1e: {  	s5 =	sshll.u32 s27, $0x1;
	_ =	strace $0x80000049;
	[dreg:$0x1] =	wrdreg $0xFFFFFFFF  }
0x1f: {  	s28 =	simm.s32 $_size_execute0_lowered;
	s3 =	sadd.s32 s3, s5;
	[dreg:$0x0] =	wrdreg $0x0  }
0x20: {  	s5 =	sshll.u32 s28, $0x1;
	[dreg:$0x2] =	wrdreg s3  }
0x21: {  	[dreg:$0x3] =	wrdreg s5  }
0x22: {  	[dreg:$0x4] =	wrdreg $0xC0  }
0x23: {  	_ =	task [dreg:s7], $0x5FFFF  }
0x24: {  	[dreg:$0x1] =	wrdreg $0xFFFFFFFF  }
0x25: {  	[dreg:$0x0] =	wrdreg $0x60  }
0x26: {  	[dreg:$0x2] =	wrdreg s25  }
0x27: {  	[dreg:$0x3] =	wrdreg s2  }
0x28: {  	[dreg:$0x4] =	wrdreg $0x9  }
0x29: {  	_ =	task.clear_ibuf [dreg:s7], $0x5FFFF;
	_ =	strace $0x90000049  }
0x2a: {  	s29 =	simm.s32 $0x9;
	_ =	strace $0x8000004B  }
0x2b: {  	_ =	swait.ge [sflag:s29], $0x1  }
0x2c: {  	[sflag:s29] =	ssyncadd.s32 $0xFFFFFFFF  }
0x2d: {  	_ =	strace $0x9000004B  }
0x2e: {  	_ =	sfence  }
0x2f: {  	s30 =	sld [smem:$0x0];
	_ =	sdelay $0x2  }
0x30: {  	s31 =	sshll.u32 s1, $0xD;
	s1 =	sshrl.u32 s1, $0x2  }
0x31: {  	s3 =	sand.u32 $0x4000, s31;
	s1 =	sadd.s32 s1, s30  }
0x32: {  	s0 =	sor.u32 s3, s0;
	s1 =	sshll.u32 s1, $0x11  }
0x33: {  	s0 =	sor.u32 s1, s0  }
0x34: {  	s0 =	sadd.s32 $0x8F2B, s0  }
0x35: {  	[sflag:s0] =	ssyncadd.remote.s32 $0x1  }
0x36: {  	_ =	sfence.sel $0xFFFF  }
0x37: {  	[dreg:$0x0] =	wrdreg $0xFFFFFFFF;
	(pc) =	sbr.abs _section_cstart, $3  }
0x38: {  	[dreg:$0x1] =	wrdreg $0xFFFFFFFF  }
0x39: {  	_ =	task.clear_ibuf [dreg:s7], $0x2FFFF;
	_ =	strace $0x9FFFFFFF  }
0x3a: {  	(tm) =	ssettm $0x7FFFFFFF  }
0x3b: {  	_ =	shalt  }
tec
execute0_lowered:
.L_overlay_start_1:
0x0: {  	(tag) =	ssettag $0x1  }
0x1: {  	s0 =	srdreg.scid  }
0x2: {  	s1 =	sshll.u32 s0, $0x4  }
0x3: {  	s0 =	stileid.u32;
	s1 =	sand.u32 $0x10, s1  }
0x4: {  	s1 =	sor.u32 s0, s1  }
0x5: {  	s6 =	rddreg [dreg:$0x0];
	s4 =	simm.s32 $0x1;
	s2 =	sshll.u32 s1, $0x7  }
0x6: {  	s7 =	simm.s32 $0x2;
	s12 =	simm.s32 $0x0;
	s1 =	ssub.s32 $0x4000, s2  }
0x7: {  	s8 =	simm.s32 $0x20000;
	s13 =	simm.s32 $0x0;
	s3 =	sand.u32 $0xF80, s1  }
0x8: {  	s9 =	simm.s32 $0x0;
	s5 =	sshrl.u32 s1, $0xC;
	p0 =	sne.s32 s3, $0x0  }
.Ltmp0:
0x9: {  	s1 =	rddreg [dreg:$0x2];
	s4 =	simm.s32 @!p0 $0x0;
	(pc) =	sbr.rel .LBB1_1-.Ltmp0, $4  }
0xa: {  	s11 =	simm.s32 $0x0;
	s3 =	rddreg [dreg:$0x1];
	s5 =	sadd.s32 s4, s5  }
0xb: {  	_ =	strace $0x8000004A;
	s4 =	simm.s32 $0x1;
	s5 =	smul.u32 $0xC8, s5  }
0xc: {  	s6 =	sadd.s32 $0x800, s6;
	s10 =	smov.u32 s2;
	[sflag:s4] =	ssyncpa.u1 $0x0  }
0xd: {  	p0 =	por $0x0, $0x0;
	[sflag:s7] =	ssyncpa.u1 $0x0;
	s7 =	sor.u32 $0x1, s5  }
.LBB1_4:
0xe: {  	s16 =	sshll.u32 s13, $0x3;
	s17 =	sand.u32 $0x78, s13  }
0xf: {  	s30 =	sand.u32 $0xF800, s13;
	s12 =	sshll.u32 s12, $0x10;
	s16 =	sand.u32 $0x3C00, s16  }
0x10: {  	s31 =	sand.u32 $0x7, s13;
	s16 =	sor.u32 s17, s16;
	s17 =	sadd.s32 s3, s30  }
0x11: {  	s13 =	sshll.u32 s31, $0x12;
	s16 =	sshrl.u32 s16, $0x3;
	s12 =	sadd.s32 s12, s17  }
0x12: {  	[tilespmem:s15+$0x0 ss:$0x81] =	vst.msk $0xffff, v0;
	s13 =	sor.u32 $0x400, s13;
	s12 =	sadd.s32 s16, s12  }
0x13: {  	[hbm4b:s12+s13] =	stream.strided.scatter [tilespmem:s14], [sflag:$0x2], $0x1000, s8, s13, $0x20;
	[tilespmem:$0x4040] =	vst v63  }
.LBB1_5:
0x14: {  	s14 =	sadd.s32 $0x1, s9  }
0x15: {  	s12 =	sadd.s32 $0x1000, s10;
	s16 =	smov.u32 s10;
	p2 =	sgt.s32 s14, $0xC7  }
0x16: {  	s16 =	smov.u32 @p2 s12  }
0x17: {  	s14 =	simm.s32 @p2 $0x0;
	p2 =	sgt.s32 s16, $0x3FFF  }
0x18: {  	s16 =	smov.u32 @p2 s2;
	p2 =	sne.s32 s11, s7  }
.Ltmp1:
0x19: {  	p1 =	slt.u32 s11, $0x2;
	(pc) =	sbr.rel @!p2 .LBB1_6-.Ltmp1, $4  }
0x1a: {  	s15 =	simm.s32 @!p1 $0x2  }
0x1b: {  	s13 =	smov.u32 s10;
	p0 =	por !p0, !p0;
	_ =	swait.ge @!p1 [sflag:s15], $0x1000  }
0x1c: {  	s12 =	smov.u32 s9;
	[sflag:s15] =	ssyncset.done @!p1 $0x0;
	s9 =	smov.u32 s14  }
0x1d: {  	s11 =	sadd.s32 $0x1, s11;
	[sflag:s15] =	ssyncadd.s32 @!p1 $0xFFFFF000;
	s10 =	smov.u32 s16  }
.LBB1_1:
0x1e: {  	p1 =	sge.u32 s11, s5  }
0x1f: {  	s14 =	sand.u32 @!p1 $0x1FFFFFF, s9  }
0x20: {  	s15 =	smulhi.u32 @!p1 $0x147AE15, s14;
	_ =	sdelay $0x1  }
0x21: {  	s15 =	smul.u32 @!p1 $0xC8, s15  }
0x22: {  	s16 =	sxor.u32 @!p1 $0xFFFFFFFF, s11;
	s17 =	smul.u32 @!p1 $0xC80, s10  }
0x23: {  	s31 =	sadd.s32 $0xFFFFFFFF, s11;
	s16 =	sshll.u32 @!p1 s16, $0xC;
	s14 =	ssub.s32 @!p1 s14, s15  }
0x24: {  	s15 =	sand.u32 @!p1 $0x1000, s16;
	s16 =	sadd.s32 @!p1 s6, s17;
	s14 =	sshll.u32 @!p1 s14, $0x4  }
0x25: {  	s17 =	simm.s32 @!p1 $0x6400;
	s14 =	sadd.s32 @!p1 s14, s16;
	s16 =	simm.s32 @!p1 $0x20  }
0x26: {  	[tilespmem:s15], [sflag:$0x1] =	stream.strided.gather @!p1 [hbm4b:s14+s16], $0x1000, s17, s16, $0x38;
	[tilespmem:$0x4040] =	vst v63  }
0x27: {  	p1 =	sge.u32 s31, s5  }
.Ltmp2:
0x28: {  	_ = 	snop;
	(pc) =	sbr.rel @p1 .LBB1_5-.Ltmp2, $1  }
0x29: {  	_ =	sdelay $0x3  }
0x2a: {  	s14 =	simm.s32 $0x1  }
0x2b: {  	_ =	swait.ge [sflag:s4], $0x1000;
	s14 =	simm.s32 @!p0 $0x0  }
0x2c: {  	[sflag:s4] =	ssyncset.done $0x0;
	s15 =	sshll.u32 s14, $0xC  }
0x2d: {  	[sflag:s4] =	ssyncadd.s32 $0xFFFFF000;
	s18 =	sor.u32 $0x10, s15  }
0x2e: {  	s14 =	smul.u32 $0x4080, s14;
	v1 =	vld [tilespmem:s18+$0x0]  }
0x2f: {  	s30 =	sand.u32 $0x1, s11;
	v0 =	vld [tilespmem:s18+$0xFFFFFFF0]  }
0x30: {  	s15 =	smul.u32 $0x4080, s30;
	s14 =	sshrl.u32 s14, $0x2  }
0x31: {  	s16 =	sor.u32 $0x2000, s14  }
0x32: {  	s31 =	sshrl.u32 s15, $0x2;
	s15 =	sadd.s32 $0x0, s16  }
0x33: {  	s17 =	simm.s32 $0x4;
	s18 =	sadd.s32 $0x20, s18;
	s14 =	sor.u32 $0x2000, s31;
	[tilespmem:s15+$0x810 ss:$0x81] =	vst.msk $0xffff, v1  }
.LBB1_3:
0x34: {  	v1 =	vld [tilespmem:s18+$0x0];
	p1 =	sne.s32 s17, $0x1FC;
	[tilespmem:s15+$0x0 ss:$0x81] =	vst.msk $0xffff, v0;
	s15 =	smov.u32 s17;
	s17 =	sadd.s32 $0x4, s17  }
.Ltmp3:
0x35: {  	v0 =	vld [tilespmem:s18+$0xFFFFFFF0];
	(pc) =	sbr.rel @p1 .LBB1_3-.Ltmp3, $4  }
0x36: {  	_ = 	snop  }
0x37: {  	s15 =	sshra.s32 s15, $0x2  }
0x38: {  	s15 =	sadd.s32 s15, s16  }
0x39: {  	s18 =	sadd.s32 $0x20, s18;
	[tilespmem:s15+$0x810 ss:$0x81] =	vst.msk $0xffff, v1  }
.Ltmp4:
0x3a: {  	_ = 	snop;
	(pc) =	sbr.rel .LBB1_4-.Ltmp4, $1  }
0x3b: {  	_ =	sdelay $0x3  }
.LBB1_6:
0x3c: {  	_ =	sfence.sel $0x180000  }
0x3d: {  	s2 =	simm.s32 $0x1;
	[bflag:$0x0] =	sbarrier.arrive $0xFFFF  }
0x3e: {  	s31 =	simm.s32 $0x2;
	[sflag:s2] =	ssyncpa.u1 $0x1  }
0x3f: {  	[sflag:s31] =	ssyncpa.u1 $0x1  }
0x40: {  	p0 =	sne.s32 s0, $0x0;
	_ =	strace $0x9000004A  }
0x41: {  	s0 =	sadd.s32 @!p0 $0x100000, s1;
	[bflag:$0x2] =	sbarrier.arrive $0xFFFF  }
0x42: {  	[sflag:s0] =	ssyncadd.tile.s32 @!p0 $0x1;
	_ =	shalt  }
.Lfunc_end1:
_tile_overlayer_lowered:
.L_overlay_start_2:
0x43: {  	(tag) =	ssettag $0x2  }
0x44: {  	s0 =	rddreg [dreg:$0x0];
	s2 =	stileid.u32  }
0x45: {  	s1 =	rddreg [dreg:$0x1];
	p0 =	sne.s32 s2, $0x0  }
0x46: {  	s3 =	rddreg [dreg:$0x2];
	[bflag:$0x3] =	sbarrier.arrive $0xFFFF;
	s2 =	simm.s32 @!p0 $0x1C01  }
0x47: {  	[timem:s3], [sflag:s2] =	dma.local @!p0 [hbm:s0], s1  }
0x48: {  	s0 =	simm.s32 @!p0 $0x1  }
0x49: {  	_ =	swait.ge @!p0 [sflag:s0], s1  }
0x4a: {  	s1 =	ssub.s32 @!p0 $0x0, s1;
	[sflag:s0] =	ssyncset.done @!p0 $0x0  }
0x4b: {  	[sflag:s0] =	ssyncadd.s32 @!p0 s1  }
0x4c: {  	[bflag:$0x3] =	sbarrier.arrive $0xFFFF  }
0x4d: {  	_ =	shalt  }

</sc_bundles>
